<compile_context>
chip_gen: v7x
topology: tpu7x:2x2x1
jax: 0.10.2.dev20260603
libtpu: 0.0.44.dev20260713+nightly
codegen_flags: <defaults>
</compile_context>

<pallas_src>
import functools

import jax
import jax.numpy as jnp
from jax import lax
from jax.experimental import pallas as pl
from jax.experimental.pallas import tpu as pltpu
from jax.experimental.pallas import tpu_sc as plsc

_STRIDE = 8.0
_MIN_SIZE = 16.0
_MAX_SIZE = 256.0

_B, _H, _W = 16, 64, 64
_HW = _H * _W
_PW = _W + 2
_PAD_TILE = ((_PW * (_H + 2) + 15) // 16) * 16
_CAP = 1040
_CKPAD = 16
_CKSZ = 1088
_K = 1000
_KPAD = 1008
_RT = 5040
_CHUNKS = _HW // 16


def _sigmoid(x):
    return 1.0 / (1.0 + jnp.exp(-x))


def _body(lg_hbm, h_hbm, w_hbm,
          cb_hbm, cx1_hbm, cy1_hbm, cx2_hbm, cy2_hbm, sco_hbm,
          route_v, scale_v, unc_v, spad_v, ck_v, ci_v,
          cb_t, cx1_t, cy1_t, cx2_t, cy2_t, sco_t, h_v, w_v,
          pr_v, mrg_v, sh_pr):
    c = lax.axis_index("c")
    s = lax.axis_index("s")
    p = s & 1
    b = c * 8 + (s >> 1)

    if True:
        pltpu.sync_copy(lg_hbm.at[0, b], route_v)
        pltpu.sync_copy(lg_hbm.at[1, b], scale_v)
        pltpu.sync_copy(lg_hbm.at[2, b], unc_v)
        pltpu.sync_copy(h_hbm, h_v)
        pltpu.sync_copy(w_hbm, w_v)

        iota16 = lax.iota(jnp.int32, 16)
        zf16 = jnp.zeros((16,), jnp.float32)

        def _fill(i, _):
            spad_v[pl.ds(i * 16, 16)] = zf16 - 1.0
            return 0
        lax.fori_loop(0, _PAD_TILE // 16, _fill, 0)

        def _score(t2, _):
            for j in range(2):
                t = t2 * 2 + j
                r = route_v[pl.ds(t * 16, 16)]
                u = unc_v[pl.ds(t * 16, 16)]
                sr = _sigmoid(r)
                sc = sr * sr * (1.0 - 0.35 * _sigmoid(u))
                y = t >> 2
                q = t & 3
                spad_v[pl.ds((y + 1) * _PW + 1 + q * 16, 16)] = sc
            return 0
        lax.fori_loop(0, _CHUNKS // 2, _score, 0)

        def _fillck(i, _):
            ck_v[pl.ds(i * 16, 16)] = zf16 - 1.0
            return 0
        lax.fori_loop(0, _CKSZ // 16, _fillck, 0)

        def _compact(t2, off):
            scs, masks, cums = [], [], []
            for j in range(2):
                t = t2 * 2 + j
                y = t >> 2
                q = t & 3
                o = (y + 1) * _PW + 1 + q * 16
                sc = spad_v[pl.ds(o, 16)]
                m = jnp.maximum(spad_v[pl.ds(o - 1, 16)],
                                spad_v[pl.ds(o + 1, 16)])
                m = jnp.maximum(m, jnp.maximum(spad_v[pl.ds(o - _PW - 1, 16)],
                                               spad_v[pl.ds(o - _PW, 16)]))
                m = jnp.maximum(m, jnp.maximum(spad_v[pl.ds(o - _PW + 1, 16)],
                                               spad_v[pl.ds(o + _PW - 1, 16)]))
                m = jnp.maximum(m, jnp.maximum(spad_v[pl.ds(o + _PW, 16)],
                                               spad_v[pl.ds(o + _PW + 1, 16)]))
                mask = sc >= m
                scs.append(sc)
                masks.append(mask)
                cums.append(plsc.cumsum(mask.astype(jnp.int32)))
            for j in range(2):
                t = t2 * 2 + j
                pos = off + cums[j] + (_CKPAD - 1)
                mask = masks[j] & (pos < _CKPAD + _CAP)
                cnt = plsc.all_reduce_population_count(mask)
                idx = t * 16 + iota16
                plsc.store_scatter(ck_v, [pos], scs[j], mask=mask)
                plsc.store_scatter(ci_v, [pos], idx, mask=mask)
                off = off + cnt
            return off
        offv = lax.fori_loop(0, _CHUNKS // 2, _compact,
                             jnp.zeros((16,), jnp.int32))
        m_count = jnp.max(offv)
        mc = (m_count + 15) >> 4

        def _zero(i, _):
            o = i * 16
            cb_t[pl.ds(o, 16)] = zf16
            cx1_t[pl.ds(o, 16)] = zf16
            cy1_t[pl.ds(o, 16)] = zf16
            cx2_t[pl.ds(o, 16)] = zf16
            cy2_t[pl.ds(o, 16)] = zf16
            sco_t[pl.ds(o, 16)] = zf16
            return 0
        lax.fori_loop(0, _KPAD // 16, _zero, 0)

        img_h = h_v[...]
        img_w = w_v[...]
        bf = zf16 + lax.convert_element_type(b, jnp.float32)

        def _prank(ci, _):
            di = _CKPAD + ci * 16
            vi = ck_v[pl.ds(di, 16)]

            def _ge(k, cnts):
                u = (2 * k + p) * 8
                acc = list(cnts)
                for j in range(8):
                    kj = ck_v[pl.ds(u + j, 16)]
                    acc[j & 3] = acc[j & 3] + (kj >= vi).astype(jnp.int32)
                return tuple(acc)

            def _gt(k, cnts):
                u = di + (2 * k + p) * 8
                acc = list(cnts)
                for j in range(8):
                    kj = ck_v[pl.ds(u + j, 16)]
                    acc[j & 3] = acc[j & 3] + (kj > vi).astype(jnp.int32)
                return tuple(acc)

            z4 = (jnp.zeros((16,), jnp.int32),) * 4
            nge = di >> 3
            ngt = (mc - ci) * 2
            cnts = lax.fori_loop(0, (nge - p + 1) >> 1, _ge, z4)
            c0, c1, c2, c3 = lax.fori_loop(0, (ngt - p + 1) >> 1, _gt, cnts)
            pr_v[pl.ds(ci * 16, 16)] = (c0 + c1) + (c2 + c3)
            return 0
        lax.fori_loop(0, mc, _prank, 0)

        @pl.when(p == 1)
        def _publish():
            pltpu.sync_copy(pr_v, sh_pr.at[s])
        plsc.subcore_barrier()

        @pl.when(p == 0)
        def _fetch():
            pltpu.sync_copy(sh_pr.at[s + 1], mrg_v)

        def _rank(ci, _):
            di = _CKPAD + ci * 16
            vi = ck_v[pl.ds(di, 16)]
            ii = ci_v[pl.ds(di, 16)]
            rank = pr_v[pl.ds(ci * 16, 16)] + mrg_v[pl.ds(ci * 16, 16)]

            ok = (vi > 0.0) & (rank < _K)
            rows = jnp.minimum(rank, _K)
            ii_safe = ii & (_HW - 1)
            xs = (ii_safe & (_W - 1)).astype(jnp.float32)
            ys = (ii_safe >> 6).astype(jnp.float32)
            cx = (xs + 0.5) * _STRIDE
            cy = (ys + 0.5) * _STRIDE
            sl = plsc.load_gather(scale_v, [ii_safe])
            ul = plsc.load_gather(unc_v, [ii_safe])
            side = (_MIN_SIZE + _sigmoid(sl) * (_MAX_SIZE - _MIN_SIZE)) \
                * (1.0 + 0.25 * _sigmoid(ul))
            half = side * 0.5
            x1 = jnp.maximum(jnp.minimum(cx - half, img_w - 1.0), 0.0)
            y1 = jnp.maximum(jnp.minimum(cy - half, img_h - 1.0), 0.0)
            x2 = jnp.maximum(jnp.minimum(cx + half, img_w), 1.0)
            y2 = jnp.maximum(jnp.minimum(cy + half, img_h), 1.0)
            plsc.store_scatter(cb_t, [rows], bf, mask=ok)
            plsc.store_scatter(cx1_t, [rows], x1, mask=ok)
            plsc.store_scatter(cy1_t, [rows], y1, mask=ok)
            plsc.store_scatter(cx2_t, [rows], x2, mask=ok)
            plsc.store_scatter(cy2_t, [rows], y2, mask=ok)
            plsc.store_scatter(sco_t, [rows], vi, mask=ok)
            return 0

        @pl.when(p == 0)
        def _decode_out():
            lax.fori_loop(0, mc, _rank, 0)
            sl5 = pl.ds(b * _K, _K)
            pltpu.sync_copy(cb_t.at[pl.ds(0, _K)], cb_hbm.at[sl5])
            pltpu.sync_copy(cx1_t.at[pl.ds(0, _K)], cx1_hbm.at[sl5])
            pltpu.sync_copy(cy1_t.at[pl.ds(0, _K)], cy1_hbm.at[sl5])
            pltpu.sync_copy(cx2_t.at[pl.ds(0, _K)], cx2_hbm.at[sl5])
            pltpu.sync_copy(cy2_t.at[pl.ds(0, _K)], cy2_hbm.at[sl5])
            pltpu.sync_copy(sco_t.at[pl.ds(0, _K)], sco_hbm.at[sl5])


_sc_call = functools.partial(
    pl.kernel,
    out_type=tuple(
        jax.ShapeDtypeStruct((_B * _K,), jnp.float32) for _ in range(6)
    ),
    mesh=plsc.VectorSubcoreMesh(core_axis_name="c", subcore_axis_name="s"),
    compiler_params=pltpu.CompilerParams(needs_layout_passes=False,
                                        use_tc_tiling_on_sc=False),
    scratch_types=[
        pltpu.VMEM((_HW,), jnp.float32),
        pltpu.VMEM((_HW,), jnp.float32),
        pltpu.VMEM((_HW,), jnp.float32),
        pltpu.VMEM((_PAD_TILE,), jnp.float32),
        pltpu.VMEM((_CKSZ,), jnp.float32),
        pltpu.VMEM((_CKPAD + _CAP,), jnp.int32),
        pltpu.VMEM((_KPAD,), jnp.float32),
        pltpu.VMEM((_KPAD,), jnp.float32),
        pltpu.VMEM((_KPAD,), jnp.float32),
        pltpu.VMEM((_KPAD,), jnp.float32),
        pltpu.VMEM((_KPAD,), jnp.float32),
        pltpu.VMEM((_KPAD,), jnp.float32),
        pltpu.VMEM((16,), jnp.float32),
        pltpu.VMEM((16,), jnp.float32),
        pltpu.VMEM((_CAP + _CKPAD,), jnp.int32),
        pltpu.VMEM((_CAP + _CKPAD,), jnp.int32),
        pltpu.VMEM_SHARED((16, _CAP + _CKPAD), jnp.int32),
    ],
)(_body)


def kernel(route_logits, scale_logits, uncertainty_logits, image_h, image_w):
    B = route_logits.shape[0]
    lg = jnp.stack((route_logits.reshape(B, -1),
                    scale_logits.reshape(B, -1),
                    uncertainty_logits.reshape(B, -1)))
    hvec = jnp.full((16,), jnp.asarray(image_h, jnp.float32))
    wvec = jnp.full((16,), jnp.asarray(image_w, jnp.float32))
    c0, c1, c2, c3, c4, scores = _sc_call(lg, hvec, wvec)
    return jnp.stack((c0, c1, c2, c3, c4), axis=1), scores

# --- scband reference (transcript-rebuilt; emitter-appended) ---
"""Pipeline reference for scband-h2-rdetector-8512625180955 (READ-ONLY COPY).

The authoritative reference and input builder live on the scoring server;
editing this copy changes nothing except your own understanding.
"""

import jax, jax.numpy as jnp
import numpy as np

CFG = dict(route_nms_kernel=3, route_stride=8.0, route_score_power=2.0,
           route_min_size=16.0, route_max_size=256.0, max_routes=1000,
           use_route_uncertainty=True)


def _local_max_mask(scores, kernel):
    pooled = jax.lax.reduce_window(scores, -jnp.inf, jax.lax.max,
                                   (1, 1, kernel, kernel), (1, 1, 1, 1), 'SAME')
    return scores == pooled


def setup_inputs(seed: int = 0) -> dict:
    key = jax.random.key(seed)
    k1, k2, k3 = jax.random.split(key, 3)
    B, H, W = 16, 64, 64
    return {
        'route_logits': jax.random.normal(k1, (B, 1, H, W), dtype=jnp.float32),
        'scale_logits': jax.random.normal(k2, (B, 1, H, W), dtype=jnp.float32),
        'uncertainty_logits': jax.random.normal(k3, (B, 1, H, W), dtype=jnp.float32),
        'image_h': 512,
        'image_w': 512,
    }


def reference(route_logits, scale_logits, uncertainty_logits, image_h, image_w):
    score_map = jax.nn.sigmoid(route_logits) ** CFG['route_score_power']
    if CFG['use_route_uncertainty']:
        score_map = score_map * (1.0 - 0.35 * jax.nn.sigmoid(uncertainty_logits))
        roi_unc = uncertainty_logits
    else:
        roi_unc = jnp.zeros_like(uncertainty_logits)
    B, _, H, W = score_map.shape
    K = min(CFG['max_routes'], H * W)
    stride = CFG['route_stride']
    all_rois = []
    all_scores = []
    for b in range(B):
        scores = score_map[b:b + 1]
        mask = _local_max_mask(scores, CFG['route_nms_kernel'])
        filtered = jnp.where(mask, scores, -1.0)
        values, indices = jax.lax.top_k(filtered.reshape(-1), K)
        valid = values > 0
        ys = indices // W
        xs = indices % W
        cx = (xs.astype(jnp.float32) + 0.5) * stride
        cy = (ys.astype(jnp.float32) + 0.5) * stride
        scale_l = scale_logits[b, 0, ys, xs]
        unc = jax.nn.sigmoid(roi_unc[b, 0, ys, xs])
        side = CFG['route_min_size'] + jax.nn.sigmoid(scale_l) * (CFG['route_max_size'] - CFG['route_min_size'])
        side = side * (1.0 + 0.25 * unc)
        half = side / 2.0
    # clamp boxes to image
        x1 = jnp.clip(cx - half, 0.0, image_w - 1.0)
        y1 = jnp.clip(cy - half, 0.0, image_h - 1.0)
        x2 = jnp.clip(cx + half, 1.0, image_w * 1.0)
        y2 = jnp.clip(cy + half, 1.0, image_h * 1.0)
        rois = jnp.stack([jnp.full_like(x1, float(b)), x1, y1, x2, y2], axis=1)
        vf = valid.astype(jnp.float32)
        rois = rois * vf[:, None]
        scores_out = jnp.where(valid, values, 0.0)
        all_rois.append(rois)
        all_scores.append(scores_out)
    return jnp.concatenate(all_rois, axis=0), jnp.concatenate(all_scores, axis=0)

if __name__ == "__main__":
    import jax
    _d = setup_inputs()
    print(jax.jit(kernel)(*tuple(_d.values())))

</pallas_src>

<mosaic_0001>
#map = affine_map<(d0, d1) -> (0, 0, 0)>
#map1 = affine_map<(d0, d1) -> (0)>
module attributes {stable_mosaic.version = 14 : i64} {
  func.func @_body(%arg0: i32, %arg1: i32, %arg2: memref<3x16x4096xf32, #tpu.memory_space<hbm>>, %arg3: memref<16xf32, #tpu.memory_space<hbm>>, %arg4: memref<16xf32, #tpu.memory_space<hbm>>, %arg5: memref<16000xf32, #tpu.memory_space<hbm>>, %arg6: memref<16000xf32, #tpu.memory_space<hbm>>, %arg7: memref<16000xf32, #tpu.memory_space<hbm>>, %arg8: memref<16000xf32, #tpu.memory_space<hbm>>, %arg9: memref<16000xf32, #tpu.memory_space<hbm>>, %arg10: memref<16000xf32, #tpu.memory_space<hbm>>, %arg11: memref<4096xf32, #tpu.memory_space<vmem>>, %arg12: memref<4096xf32, #tpu.memory_space<vmem>>, %arg13: memref<4096xf32, #tpu.memory_space<vmem>>, %arg14: memref<4368xf32, #tpu.memory_space<vmem>>, %arg15: memref<1088xf32, #tpu.memory_space<vmem>>, %arg16: memref<1056xi32, #tpu.memory_space<vmem>>, %arg17: memref<1008xf32, #tpu.memory_space<vmem>>, %arg18: memref<1008xf32, #tpu.memory_space<vmem>>, %arg19: memref<1008xf32, #tpu.memory_space<vmem>>, %arg20: memref<1008xf32, #tpu.memory_space<vmem>>, %arg21: memref<1008xf32, #tpu.memory_space<vmem>>, %arg22: memref<1008xf32, #tpu.memory_space<vmem>>, %arg23: memref<16xf32, #tpu.memory_space<vmem>>, %arg24: memref<16xf32, #tpu.memory_space<vmem>>, %arg25: memref<1056xi32, #tpu.memory_space<vmem>>, %arg26: memref<1056xi32, #tpu.memory_space<vmem>>, %arg27: memref<16x1056xi32, #tpu.memory_space<vmem_shared>>) attributes {dimension_semantics = [#tpu.dimension_semantics<core_parallel>, #tpu.dimension_semantics<subcore_parallel>], iteration_bounds = array<i64: 2, 16>, scalar_prefetch = 0 : i64, scratch_operands = 17 : i64, tpu.core_type = #tpu.core_type<sc_vector_subcore>, window_params = [{transform_indices = #map}, {transform_indices = #map1}, {transform_indices = #map1}, {transform_indices = #map1}, {transform_indices = #map1}, {transform_indices = #map1}, {transform_indices = #map1}, {transform_indices = #map1}, {transform_indices = #map1}]} {
    %and3A = arith.constant 1 : i32
    %and3A_0 = arith.andi %arg1, %and3A : i32
    %mul3A = arith.constant 8 : i32
    %mul3A_1 = arith.muli %arg0, %mul3A : i32
    %shift_right_arithmetic3A = arith.constant 1 : i32
    %shift_right_arithmetic3A_2 = arith.shrsi %arg1, %shift_right_arithmetic3A : i32
    %add3A = arith.addi %mul3A_1, %shift_right_arithmetic3A_2 : i32
    %run_scoped3A = arith.constant 0 : i32
    "tpu.region"() ({
      %run_scoped3A_81 = tpu.sem_alloc : memref<!tpu.dma_semaphore, #tpu.memory_space<semaphore_mem>>
      %dma_start3A = arith.constant 0 : i32
      %dma_start3A_82 = tpu.memref_slice %arg2[%run_scoped3A, %add3A, %dma_start3A] : memref<3x16x4096xf32, #tpu.memory_space<hbm>> -> memref<1x1x4096xf32, #tpu.memory_space<hbm>>
      %dma_start3A_83 = tpu.memref_squeeze %dma_start3A_82 : memref<1x1x4096xf32, #tpu.memory_space<hbm>> -> memref<4096xf32, #tpu.memory_space<hbm>>
      %dma_start3A_84 = arith.constant 0 : i32
      %dma_start3A_85 = tpu.memref_slice %arg2[%run_scoped3A, %add3A, %dma_start3A_84] : memref<3x16x4096xf32, #tpu.memory_space<hbm>> -> memref<1x1x4096xf32, #tpu.memory_space<hbm>>
      %dma_start3A_86 = tpu.memref_squeeze %dma_start3A_85 : memref<1x1x4096xf32, #tpu.memory_space<hbm>> -> memref<4096xf32, #tpu.memory_space<hbm>>
      tpu.enqueue_dma source(%dma_start3A_86 : memref<4096xf32, #tpu.memory_space<hbm>>) target(%arg11 : memref<4096xf32, #tpu.memory_space<vmem>>) target_semaphore(%run_scoped3A_81 : memref<!tpu.dma_semaphore, #tpu.memory_space<semaphore_mem>>)
      %dma_wait3A = arith.constant 0 : i32
      %dma_wait3A_87 = tpu.memref_slice %arg2[%run_scoped3A, %add3A, %dma_wait3A] : memref<3x16x4096xf32, #tpu.memory_space<hbm>> -> memref<1x1x4096xf32, #tpu.memory_space<hbm>>
      %dma_wait3A_88 = tpu.memref_squeeze %dma_wait3A_87 : memref<1x1x4096xf32, #tpu.memory_space<hbm>> -> memref<4096xf32, #tpu.memory_space<hbm>>
      %dma_wait3A_89 = arith.constant 0 : i32
      %dma_wait3A_90 = tpu.memref_slice %arg2[%run_scoped3A, %add3A, %dma_wait3A_89] : memref<3x16x4096xf32, #tpu.memory_space<hbm>> -> memref<1x1x4096xf32, #tpu.memory_space<hbm>>
      %dma_wait3A_91 = tpu.memref_squeeze %dma_wait3A_90 : memref<1x1x4096xf32, #tpu.memory_space<hbm>> -> memref<4096xf32, #tpu.memory_space<hbm>>
      tpu.wait_dma2 semaphore(%run_scoped3A_81 : memref<!tpu.dma_semaphore, #tpu.memory_space<semaphore_mem>>) src(%dma_wait3A_91 : memref<4096xf32, #tpu.memory_space<hbm>>) dst(%arg11 : memref<4096xf32, #tpu.memory_space<vmem>>)
      tpu.yield
    }) : () -> ()
    %run_scoped3A_3 = arith.constant 1 : i32
    "tpu.region"() ({
      %run_scoped3A_81 = tpu.sem_alloc : memref<!tpu.dma_semaphore, #tpu.memory_space<semaphore_mem>>
      %dma_start3A = arith.constant 0 : i32
      %dma_start3A_82 = tpu.memref_slice %arg2[%run_scoped3A_3, %add3A, %dma_start3A] : memref<3x16x4096xf32, #tpu.memory_space<hbm>> -> memref<1x1x4096xf32, #tpu.memory_space<hbm>>
      %dma_start3A_83 = tpu.memref_squeeze %dma_start3A_82 : memref<1x1x4096xf32, #tpu.memory_space<hbm>> -> memref<4096xf32, #tpu.memory_space<hbm>>
      %dma_start3A_84 = arith.constant 0 : i32
      %dma_start3A_85 = tpu.memref_slice %arg2[%run_scoped3A_3, %add3A, %dma_start3A_84] : memref<3x16x4096xf32, #tpu.memory_space<hbm>> -> memref<1x1x4096xf32, #tpu.memory_space<hbm>>
      %dma_start3A_86 = tpu.memref_squeeze %dma_start3A_85 : memref<1x1x4096xf32, #tpu.memory_space<hbm>> -> memref<4096xf32, #tpu.memory_space<hbm>>
      tpu.enqueue_dma source(%dma_start3A_86 : memref<4096xf32, #tpu.memory_space<hbm>>) target(%arg12 : memref<4096xf32, #tpu.memory_space<vmem>>) target_semaphore(%run_scoped3A_81 : memref<!tpu.dma_semaphore, #tpu.memory_space<semaphore_mem>>)
      %dma_wait3A = arith.constant 0 : i32
      %dma_wait3A_87 = tpu.memref_slice %arg2[%run_scoped3A_3, %add3A, %dma_wait3A] : memref<3x16x4096xf32, #tpu.memory_space<hbm>> -> memref<1x1x4096xf32, #tpu.memory_space<hbm>>
      %dma_wait3A_88 = tpu.memref_squeeze %dma_wait3A_87 : memref<1x1x4096xf32, #tpu.memory_space<hbm>> -> memref<4096xf32, #tpu.memory_space<hbm>>
      %dma_wait3A_89 = arith.constant 0 : i32
      %dma_wait3A_90 = tpu.memref_slice %arg2[%run_scoped3A_3, %add3A, %dma_wait3A_89] : memref<3x16x4096xf32, #tpu.memory_space<hbm>> -> memref<1x1x4096xf32, #tpu.memory_space<hbm>>
      %dma_wait3A_91 = tpu.memref_squeeze %dma_wait3A_90 : memref<1x1x4096xf32, #tpu.memory_space<hbm>> -> memref<4096xf32, #tpu.memory_space<hbm>>
      tpu.wait_dma2 semaphore(%run_scoped3A_81 : memref<!tpu.dma_semaphore, #tpu.memory_space<semaphore_mem>>) src(%dma_wait3A_91 : memref<4096xf32, #tpu.memory_space<hbm>>) dst(%arg12 : memref<4096xf32, #tpu.memory_space<vmem>>)
      tpu.yield
    }) : () -> ()
    %run_scoped3A_4 = arith.constant 2 : i32
    "tpu.region"() ({
      %run_scoped3A_81 = tpu.sem_alloc : memref<!tpu.dma_semaphore, #tpu.memory_space<semaphore_mem>>
      %dma_start3A = arith.constant 0 : i32
      %dma_start3A_82 = tpu.memref_slice %arg2[%run_scoped3A_4, %add3A, %dma_start3A] : memref<3x16x4096xf32, #tpu.memory_space<hbm>> -> memref<1x1x4096xf32, #tpu.memory_space<hbm>>
      %dma_start3A_83 = tpu.memref_squeeze %dma_start3A_82 : memref<1x1x4096xf32, #tpu.memory_space<hbm>> -> memref<4096xf32, #tpu.memory_space<hbm>>
      %dma_start3A_84 = arith.constant 0 : i32
      %dma_start3A_85 = tpu.memref_slice %arg2[%run_scoped3A_4, %add3A, %dma_start3A_84] : memref<3x16x4096xf32, #tpu.memory_space<hbm>> -> memref<1x1x4096xf32, #tpu.memory_space<hbm>>
      %dma_start3A_86 = tpu.memref_squeeze %dma_start3A_85 : memref<1x1x4096xf32, #tpu.memory_space<hbm>> -> memref<4096xf32, #tpu.memory_space<hbm>>
      tpu.enqueue_dma source(%dma_start3A_86 : memref<4096xf32, #tpu.memory_space<hbm>>) target(%arg13 : memref<4096xf32, #tpu.memory_space<vmem>>) target_semaphore(%run_scoped3A_81 : memref<!tpu.dma_semaphore, #tpu.memory_space<semaphore_mem>>)
      %dma_wait3A = arith.constant 0 : i32
      %dma_wait3A_87 = tpu.memref_slice %arg2[%run_scoped3A_4, %add3A, %dma_wait3A] : memref<3x16x4096xf32, #tpu.memory_space<hbm>> -> memref<1x1x4096xf32, #tpu.memory_space<hbm>>
      %dma_wait3A_88 = tpu.memref_squeeze %dma_wait3A_87 : memref<1x1x4096xf32, #tpu.memory_space<hbm>> -> memref<4096xf32, #tpu.memory_space<hbm>>
      %dma_wait3A_89 = arith.constant 0 : i32
      %dma_wait3A_90 = tpu.memref_slice %arg2[%run_scoped3A_4, %add3A, %dma_wait3A_89] : memref<3x16x4096xf32, #tpu.memory_space<hbm>> -> memref<1x1x4096xf32, #tpu.memory_space<hbm>>
      %dma_wait3A_91 = tpu.memref_squeeze %dma_wait3A_90 : memref<1x1x4096xf32, #tpu.memory_space<hbm>> -> memref<4096xf32, #tpu.memory_space<hbm>>
      tpu.wait_dma2 semaphore(%run_scoped3A_81 : memref<!tpu.dma_semaphore, #tpu.memory_space<semaphore_mem>>) src(%dma_wait3A_91 : memref<4096xf32, #tpu.memory_space<hbm>>) dst(%arg13 : memref<4096xf32, #tpu.memory_space<vmem>>)
      tpu.yield
    }) : () -> ()
    "tpu.region"() ({
      %run_scoped3A_81 = tpu.sem_alloc : memref<!tpu.dma_semaphore, #tpu.memory_space<semaphore_mem>>
      tpu.enqueue_dma source(%arg3 : memref<16xf32, #tpu.memory_space<hbm>>) target(%arg23 : memref<16xf32, #tpu.memory_space<vmem>>) target_semaphore(%run_scoped3A_81 : memref<!tpu.dma_semaphore, #tpu.memory_space<semaphore_mem>>)
      tpu.wait_dma2 semaphore(%run_scoped3A_81 : memref<!tpu.dma_semaphore, #tpu.memory_space<semaphore_mem>>) src(%arg3 : memref<16xf32, #tpu.memory_space<hbm>>) dst(%arg23 : memref<16xf32, #tpu.memory_space<vmem>>)
      tpu.yield
    }) : () -> ()
    "tpu.region"() ({
      %run_scoped3A_81 = tpu.sem_alloc : memref<!tpu.dma_semaphore, #tpu.memory_space<semaphore_mem>>
      tpu.enqueue_dma source(%arg4 : memref<16xf32, #tpu.memory_space<hbm>>) target(%arg24 : memref<16xf32, #tpu.memory_space<vmem>>) target_semaphore(%run_scoped3A_81 : memref<!tpu.dma_semaphore, #tpu.memory_space<semaphore_mem>>)
      tpu.wait_dma2 semaphore(%run_scoped3A_81 : memref<!tpu.dma_semaphore, #tpu.memory_space<semaphore_mem>>) src(%arg4 : memref<16xf32, #tpu.memory_space<hbm>>) dst(%arg24 : memref<16xf32, #tpu.memory_space<vmem>>)
      tpu.yield
    }) : () -> ()
    %iota3A = tpu.iota {dimensions = array<i32: 0>} : vector<16xi32>
    %broadcast_in_dim3A = arith.constant 0.000000e+00 : f32
    %broadcast_in_dim3A_5 = vector.broadcast %broadcast_in_dim3A : f32 to vector<16xf32>
    %scan3A = arith.constant 0 : i32
    %scan3A_6 = arith.constant 0 : i32
    %scan3A_7 = arith.constant 273 : i32
    %scan3A_8 = arith.addi %scan3A_6, %scan3A_7 : i32
    %scan3A_9 = arith.constant 1 : i32
    %scan3A_10 = scf.for %scan3A_81 = %scan3A_6 to %scan3A_8 step %scan3A_9 iter_args(%scan3A_82 = %scan3A) -> (i32)  : i32 {
      %sub3A = arith.constant 1.000000e+00 : f32
      %sub3A_83 = vector.broadcast %sub3A : f32 to vector<16xf32>
      %sub3A_84 = arith.subf %broadcast_in_dim3A_5, %sub3A_83 : vector<16xf32>
      %mul3A_85 = arith.constant 16 : i32
      %mul3A_86 = arith.muli %scan3A_81, %mul3A_85 : i32
      %swap3A = arith.index_cast %mul3A_86 : i32 to index
      %swap3A_87 = tpu.vector_load %arg14[%swap3A] {strides = array<i32>} : memref<4368xf32, #tpu.memory_space<vmem>>, vector<16xf32>,
      tpu.vector_store %arg14[%swap3A], %sub3A_84 {strides = array<i32>} : memref<4368xf32, #tpu.memory_space<vmem>>, vector<16xf32>,
      %scan3A_88 = arith.constant 0 : i32
      scf.yield %scan3A_88 : i32
    }
    %scan3A_11 = arith.constant 273 : i32
    %scan3A_12 = arith.constant 0 : i32
    %scan3A_13 = arith.constant 0 : i32
    %scan3A_14 = arith.constant 128 : i32
    %scan3A_15 = arith.addi %scan3A_13, %scan3A_14 : i32
    %scan3A_16 = arith.constant 1 : i32
    %scan3A_17 = scf.for %scan3A_81 = %scan3A_13 to %scan3A_15 step %scan3A_16 iter_args(%scan3A_82 = %scan3A_12) -> (i32)  : i32 {
      %mul3A_83 = arith.constant 2 : i32
      %mul3A_84 = arith.muli %scan3A_81, %mul3A_83 : i32
      %add3A_85 = arith.constant 0 : i32
      %add3A_86 = arith.addi %mul3A_84, %add3A_85 : i32
      %mul3A_87 = arith.constant 16 : i32
      %mul3A_88 = arith.muli %add3A_86, %mul3A_87 : i32
      %get3A_89 = arith.index_cast %mul3A_88 : i32 to index
      %get3A_90 = tpu.vector_load %arg11[%get3A_89] {strides = array<i32>} : memref<4096xf32, #tpu.memory_space<vmem>>, vector<16xf32>,
      %mul3A_91 = arith.constant 16 : i32
      %mul3A_92 = arith.muli %add3A_86, %mul3A_91 : i32
      %get3A_93 = arith.index_cast %mul3A_92 : i32 to index
      %get3A_94 = tpu.vector_load %arg13[%get3A_93] {strides = array<i32>} : memref<4096xf32, #tpu.memory_space<vmem>>, vector<16xf32>,
      %neg3A = arith.constant 0.000000e+00 : f32
      %neg3A_95 = vector.broadcast %neg3A : f32 to vector<16xf32>
      %neg3A_96 = arith.subf %neg3A_95, %get3A_90 : vector<16xf32>
      %exp3A = math.exp %neg3A_96 : vector<16xf32>
      %add3A_97 = arith.constant 1.000000e+00 : f32
      %add3A_98 = vector.broadcast %add3A_97 : f32 to vector<16xf32>
      %add3A_99 = arith.addf %add3A_98, %exp3A : vector<16xf32>
      %div3A = arith.constant 1.000000e+00 : f32
      %div3A_100 = vector.broadcast %div3A : f32 to vector<16xf32>
      %div3A_101 = arith.divf %div3A_100, %add3A_99 : vector<16xf32>
      %mul3A_102 = arith.mulf %div3A_101, %div3A_101 : vector<16xf32>
      %neg3A_103 = arith.constant 0.000000e+00 : f32
      %neg3A_104 = vector.broadcast %neg3A_103 : f32 to vector<16xf32>
      %neg3A_105 = arith.subf %neg3A_104, %get3A_94 : vector<16xf32>
      %exp3A_106 = math.exp %neg3A_105 : vector<16xf32>
      %add3A_107 = arith.constant 1.000000e+00 : f32
      %add3A_108 = vector.broadcast %add3A_107 : f32 to vector<16xf32>
      %add3A_109 = arith.addf %add3A_108, %exp3A_106 : vector<16xf32>
      %div3A_110 = arith.constant 1.000000e+00 : f32
      %div3A_111 = vector.broadcast %div3A_110 : f32 to vector<16xf32>
      %div3A_112 = arith.divf %div3A_111, %add3A_109 : vector<16xf32>
      %mul3A_113 = arith.constant 3.500000e-01 : f32
      %mul3A_114 = vector.broadcast %mul3A_113 : f32 to vector<16xf32>
      %mul3A_115 = arith.mulf %mul3A_114, %div3A_112 : vector<16xf32>
      %sub3A = arith.constant 1.000000e+00 : f32
      %sub3A_116 = vector.broadcast %sub3A : f32 to vector<16xf32>
      %sub3A_117 = arith.subf %sub3A_116, %mul3A_115 : vector<16xf32>
      %mul3A_118 = arith.mulf %mul3A_102, %sub3A_117 : vector<16xf32>
      %shift_right_arithmetic3A_119 = arith.constant 2 : i32
      %shift_right_arithmetic3A_120 = arith.shrsi %add3A_86, %shift_right_arithmetic3A_119 : i32
      %and3A_121 = arith.constant 3 : i32
      %and3A_122 = arith.andi %add3A_86, %and3A_121 : i32
      %add3A_123 = arith.constant 1 : i32
      %add3A_124 = arith.addi %shift_right_arithmetic3A_120, %add3A_123 : i32
      %mul3A_125 = arith.constant 66 : i32
      %mul3A_126 = arith.muli %add3A_124, %mul3A_125 : i32
      %add3A_127 = arith.constant 1 : i32
      %add3A_128 = arith.addi %mul3A_126, %add3A_127 : i32
      %mul3A_129 = arith.constant 16 : i32
      %mul3A_130 = arith.muli %and3A_122, %mul3A_129 : i32
      %add3A_131 = arith.addi %add3A_128, %mul3A_130 : i32
      %swap3A = arith.index_cast %add3A_131 : i32 to index
      %swap3A_132 = tpu.vector_load %arg14[%swap3A] {strides = array<i32>} : memref<4368xf32, #tpu.memory_space<vmem>>, vector<16xf32>,
      tpu.vector_store %arg14[%swap3A], %mul3A_118 {strides = array<i32>} : memref<4368xf32, #tpu.memory_space<vmem>>, vector<16xf32>,
      %mul3A_133 = arith.constant 2 : i32
      %mul3A_134 = arith.muli %scan3A_81, %mul3A_133 : i32
      %add3A_135 = arith.constant 1 : i32
      %add3A_136 = arith.addi %mul3A_134, %add3A_135 : i32
      %mul3A_137 = arith.constant 16 : i32
      %mul3A_138 = arith.muli %add3A_136, %mul3A_137 : i32
      %get3A_139 = arith.index_cast %mul3A_138 : i32 to index
      %get3A_140 = tpu.vector_load %arg11[%get3A_139] {strides = array<i32>} : memref<4096xf32, #tpu.memory_space<vmem>>, vector<16xf32>,
      %mul3A_141 = arith.constant 16 : i32
      %mul3A_142 = arith.muli %add3A_136, %mul3A_141 : i32
      %get3A_143 = arith.index_cast %mul3A_142 : i32 to index
      %get3A_144 = tpu.vector_load %arg13[%get3A_143] {strides = array<i32>} : memref<4096xf32, #tpu.memory_space<vmem>>, vector<16xf32>,
      %neg3A_145 = arith.constant 0.000000e+00 : f32
      %neg3A_146 = vector.broadcast %neg3A_145 : f32 to vector<16xf32>
      %neg3A_147 = arith.subf %neg3A_146, %get3A_140 : vector<16xf32>
      %exp3A_148 = math.exp %neg3A_147 : vector<16xf32>
      %add3A_149 = arith.constant 1.000000e+00 : f32
      %add3A_150 = vector.broadcast %add3A_149 : f32 to vector<16xf32>
      %add3A_151 = arith.addf %add3A_150, %exp3A_148 : vector<16xf32>
      %div3A_152 = arith.constant 1.000000e+00 : f32
      %div3A_153 = vector.broadcast %div3A_152 : f32 to vector<16xf32>
      %div3A_154 = arith.divf %div3A_153, %add3A_151 : vector<16xf32>
      %mul3A_155 = arith.mulf %div3A_154, %div3A_154 : vector<16xf32>
      %neg3A_156 = arith.constant 0.000000e+00 : f32
      %neg3A_157 = vector.broadcast %neg3A_156 : f32 to vector<16xf32>
      %neg3A_158 = arith.subf %neg3A_157, %get3A_144 : vector<16xf32>
      %exp3A_159 = math.exp %neg3A_158 : vector<16xf32>
      %add3A_160 = arith.constant 1.000000e+00 : f32
      %add3A_161 = vector.broadcast %add3A_160 : f32 to vector<16xf32>
      %add3A_162 = arith.addf %add3A_161, %exp3A_159 : vector<16xf32>
      %div3A_163 = arith.constant 1.000000e+00 : f32
      %div3A_164 = vector.broadcast %div3A_163 : f32 to vector<16xf32>
      %div3A_165 = arith.divf %div3A_164, %add3A_162 : vector<16xf32>
      %mul3A_166 = arith.constant 3.500000e-01 : f32
      %mul3A_167 = vector.broadcast %mul3A_166 : f32 to vector<16xf32>
      %mul3A_168 = arith.mulf %mul3A_167, %div3A_165 : vector<16xf32>
      %sub3A_169 = arith.constant 1.000000e+00 : f32
      %sub3A_170 = vector.broadcast %sub3A_169 : f32 to vector<16xf32>
      %sub3A_171 = arith.subf %sub3A_170, %mul3A_168 : vector<16xf32>
      %mul3A_172 = arith.mulf %mul3A_155, %sub3A_171 : vector<16xf32>
      %shift_right_arithmetic3A_173 = arith.constant 2 : i32
      %shift_right_arithmetic3A_174 = arith.shrsi %add3A_136, %shift_right_arithmetic3A_173 : i32
      %and3A_175 = arith.constant 3 : i32
      %and3A_176 = arith.andi %add3A_136, %and3A_175 : i32
      %add3A_177 = arith.constant 1 : i32
      %add3A_178 = arith.addi %shift_right_arithmetic3A_174, %add3A_177 : i32
      %mul3A_179 = arith.constant 66 : i32
      %mul3A_180 = arith.muli %add3A_178, %mul3A_179 : i32
      %add3A_181 = arith.constant 1 : i32
      %add3A_182 = arith.addi %mul3A_180, %add3A_181 : i32
      %mul3A_183 = arith.constant 16 : i32
      %mul3A_184 = arith.muli %and3A_176, %mul3A_183 : i32
      %add3A_185 = arith.addi %add3A_182, %mul3A_184 : i32
      %swap3A_186 = arith.index_cast %add3A_185 : i32 to index
      %swap3A_187 = tpu.vector_load %arg14[%swap3A_186] {strides = array<i32>} : memref<4368xf32, #tpu.memory_space<vmem>>, vector<16xf32>,
      tpu.vector_store %arg14[%swap3A_186], %mul3A_172 {strides = array<i32>} : memref<4368xf32, #tpu.memory_space<vmem>>, vector<16xf32>,
      %scan3A_188 = arith.constant 0 : i32
      scf.yield %scan3A_188 : i32
    }
    %scan3A_18 = arith.constant 128 : i32
    %scan3A_19 = arith.constant 0 : i32
    %scan3A_20 = arith.constant 0 : i32
    %scan3A_21 = arith.constant 68 : i32
    %scan3A_22 = arith.addi %scan3A_20, %scan3A_21 : i32
    %scan3A_23 = arith.constant 1 : i32
    %scan3A_24 = scf.for %scan3A_81 = %scan3A_20 to %scan3A_22 step %scan3A_23 iter_args(%scan3A_82 = %scan3A_19) -> (i32)  : i32 {
      %sub3A = arith.constant 1.000000e+00 : f32
      %sub3A_83 = vector.broadcast %sub3A : f32 to vector<16xf32>
      %sub3A_84 = arith.subf %broadcast_in_dim3A_5, %sub3A_83 : vector<16xf32>
      %mul3A_85 = arith.constant 16 : i32
      %mul3A_86 = arith.muli %scan3A_81, %mul3A_85 : i32
      %swap3A = arith.index_cast %mul3A_86 : i32 to index
      %swap3A_87 = tpu.vector_load %arg15[%swap3A] {strides = array<i32>} : memref<1088xf32, #tpu.memory_space<vmem>>, vector<16xf32>,
      tpu.vector_store %arg15[%swap3A], %sub3A_84 {strides = array<i32>} : memref<1088xf32, #tpu.memory_space<vmem>>, vector<16xf32>,
      %scan3A_88 = arith.constant 0 : i32
      scf.yield %scan3A_88 : i32
    }
    %scan3A_25 = arith.constant 68 : i32
    %broadcast_in_dim3A_26 = arith.constant 0 : i32
    %broadcast_in_dim3A_27 = vector.broadcast %broadcast_in_dim3A_26 : i32 to vector<16xi32>
    %scan3A_28 = arith.constant 0 : i32
    %scan3A_29 = arith.constant 128 : i32
    %scan3A_30 = arith.addi %scan3A_28, %scan3A_29 : i32
    %scan3A_31 = arith.constant 1 : i32
    %scan3A_32 = scf.for %scan3A_81 = %scan3A_28 to %scan3A_30 step %scan3A_31 iter_args(%scan3A_82 = %broadcast_in_dim3A_27) -> (vector<16xi32>)  : i32 {
      %mul3A_83 = arith.constant 2 : i32
      %mul3A_84 = arith.muli %scan3A_81, %mul3A_83 : i32
      %add3A_85 = arith.constant 0 : i32
      %add3A_86 = arith.addi %mul3A_84, %add3A_85 : i32
      %shift_right_arithmetic3A_87 = arith.constant 2 : i32
      %shift_right_arithmetic3A_88 = arith.shrsi %add3A_86, %shift_right_arithmetic3A_87 : i32
      %and3A_89 = arith.constant 3 : i32
      %and3A_90 = arith.andi %add3A_86, %and3A_89 : i32
      %add3A_91 = arith.constant 1 : i32
      %add3A_92 = arith.addi %shift_right_arithmetic3A_88, %add3A_91 : i32
      %mul3A_93 = arith.constant 66 : i32
      %mul3A_94 = arith.muli %add3A_92, %mul3A_93 : i32
      %add3A_95 = arith.constant 1 : i32
      %add3A_96 = arith.addi %mul3A_94, %add3A_95 : i32
      %mul3A_97 = arith.constant 16 : i32
      %mul3A_98 = arith.muli %and3A_90, %mul3A_97 : i32
      %add3A_99 = arith.addi %add3A_96, %mul3A_98 : i32
      %get3A_100 = arith.index_cast %add3A_99 : i32 to index
      %get3A_101 = tpu.vector_load %arg14[%get3A_100] {strides = array<i32>} : memref<4368xf32, #tpu.memory_space<vmem>>, vector<16xf32>,
      %sub3A = arith.constant 1 : i32
      %sub3A_102 = arith.subi %add3A_99, %sub3A : i32
      %get3A_103 = arith.index_cast %sub3A_102 : i32 to index
      %get3A_104 = tpu.vector_load %arg14[%get3A_103] {strides = array<i32>} : memref<4368xf32, #tpu.memory_space<vmem>>, vector<16xf32>,
      %add3A_105 = arith.constant 1 : i32
      %add3A_106 = arith.addi %add3A_99, %add3A_105 : i32
      %get3A_107 = arith.index_cast %add3A_106 : i32 to index
      %get3A_108 = tpu.vector_load %arg14[%get3A_107] {strides = array<i32>} : memref<4368xf32, #tpu.memory_space<vmem>>, vector<16xf32>,
      %max3A = arith.maximumf %get3A_104, %get3A_108 : vector<16xf32>
      %sub3A_109 = arith.constant 66 : i32
      %sub3A_110 = arith.subi %add3A_99, %sub3A_109 : i32
      %sub3A_111 = arith.constant 1 : i32
      %sub3A_112 = arith.subi %sub3A_110, %sub3A_111 : i32
      %get3A_113 = arith.index_cast %sub3A_112 : i32 to index
      %get3A_114 = tpu.vector_load %arg14[%get3A_113] {strides = array<i32>} : memref<4368xf32, #tpu.memory_space<vmem>>, vector<16xf32>,
      %sub3A_115 = arith.constant 66 : i32
      %sub3A_116 = arith.subi %add3A_99, %sub3A_115 : i32
      %get3A_117 = arith.index_cast %sub3A_116 : i32 to index
      %get3A_118 = tpu.vector_load %arg14[%get3A_117] {strides = array<i32>} : memref<4368xf32, #tpu.memory_space<vmem>>, vector<16xf32>,
      %max3A_119 = arith.maximumf %get3A_114, %get3A_118 : vector<16xf32>
      %max3A_120 = arith.maximumf %max3A, %max3A_119 : vector<16xf32>
      %sub3A_121 = arith.constant 66 : i32
      %sub3A_122 = arith.subi %add3A_99, %sub3A_121 : i32
      %add3A_123 = arith.constant 1 : i32
      %add3A_124 = arith.addi %sub3A_122, %add3A_123 : i32
      %get3A_125 = arith.index_cast %add3A_124 : i32 to index
      %get3A_126 = tpu.vector_load %arg14[%get3A_125] {strides = array<i32>} : memref<4368xf32, #tpu.memory_space<vmem>>, vector<16xf32>,
      %add3A_127 = arith.constant 66 : i32
      %add3A_128 = arith.addi %add3A_99, %add3A_127 : i32
      %sub3A_129 = arith.constant 1 : i32
      %sub3A_130 = arith.subi %add3A_128, %sub3A_129 : i32
      %get3A_131 = arith.index_cast %sub3A_130 : i32 to index
      %get3A_132 = tpu.vector_load %arg14[%get3A_131] {strides = array<i32>} : memref<4368xf32, #tpu.memory_space<vmem>>, vector<16xf32>,
      %max3A_133 = arith.maximumf %get3A_126, %get3A_132 : vector<16xf32>
      %max3A_134 = arith.maximumf %max3A_120, %max3A_133 : vector<16xf32>
      %add3A_135 = arith.constant 66 : i32
      %add3A_136 = arith.addi %add3A_99, %add3A_135 : i32
      %get3A_137 = arith.index_cast %add3A_136 : i32 to index
      %get3A_138 = tpu.vector_load %arg14[%get3A_137] {strides = array<i32>} : memref<4368xf32, #tpu.memory_space<vmem>>, vector<16xf32>,
      %add3A_139 = arith.constant 66 : i32
      %add3A_140 = arith.addi %add3A_99, %add3A_139 : i32
      %add3A_141 = arith.constant 1 : i32
      %add3A_142 = arith.addi %add3A_140, %add3A_141 : i32
      %get3A_143 = arith.index_cast %add3A_142 : i32 to index
      %get3A_144 = tpu.vector_load %arg14[%get3A_143] {strides = array<i32>} : memref<4368xf32, #tpu.memory_space<vmem>>, vector<16xf32>,
      %max3A_145 = arith.maximumf %get3A_138, %get3A_144 : vector<16xf32>
      %max3A_146 = arith.maximumf %max3A_134, %max3A_145 : vector<16xf32>
      %ge3A = arith.cmpf oge, %get3A_101, %max3A_146 : vector<16xf32>
      %convert_element_type3A_147 = arith.extui %ge3A : vector<16xi1> to vector<16xi32>
      %broadcast_in_dim3A_148 = arith.constant true
      %broadcast_in_dim3A_149 = vector.broadcast %broadcast_in_dim3A_148 : i1 to vector<16xi1>
      %masked_cumsum3A = tpu.scan <sum>, %convert_element_type3A_147 masked %broadcast_in_dim3A_149 : vector<16xi32>, vector<16xi1> -> vector<16xi32>
      %mul3A_150 = arith.constant 2 : i32
      %mul3A_151 = arith.muli %scan3A_81, %mul3A_150 : i32
      %add3A_152 = arith.constant 1 : i32
      %add3A_153 = arith.addi %mul3A_151, %add3A_152 : i32
      %shift_right_arithmetic3A_154 = arith.constant 2 : i32
      %shift_right_arithmetic3A_155 = arith.shrsi %add3A_153, %shift_right_arithmetic3A_154 : i32
      %and3A_156 = arith.constant 3 : i32
      %and3A_157 = arith.andi %add3A_153, %and3A_156 : i32
      %add3A_158 = arith.constant 1 : i32
      %add3A_159 = arith.addi %shift_right_arithmetic3A_155, %add3A_158 : i32
      %mul3A_160 = arith.constant 66 : i32
      %mul3A_161 = arith.muli %add3A_159, %mul3A_160 : i32
      %add3A_162 = arith.constant 1 : i32
      %add3A_163 = arith.addi %mul3A_161, %add3A_162 : i32
      %mul3A_164 = arith.constant 16 : i32
      %mul3A_165 = arith.muli %and3A_157, %mul3A_164 : i32
      %add3A_166 = arith.addi %add3A_163, %mul3A_165 : i32
      %get3A_167 = arith.index_cast %add3A_166 : i32 to index
      %get3A_168 = tpu.vector_load %arg14[%get3A_167] {strides = array<i32>} : memref<4368xf32, #tpu.memory_space<vmem>>, vector<16xf32>,
      %sub3A_169 = arith.constant 1 : i32
      %sub3A_170 = arith.subi %add3A_166, %sub3A_169 : i32
      %get3A_171 = arith.index_cast %sub3A_170 : i32 to index
      %get3A_172 = tpu.vector_load %arg14[%get3A_171] {strides = array<i32>} : memref<4368xf32, #tpu.memory_space<vmem>>, vector<16xf32>,
      %add3A_173 = arith.constant 1 : i32
      %add3A_174 = arith.addi %add3A_166, %add3A_173 : i32
      %get3A_175 = arith.index_cast %add3A_174 : i32 to index
      %get3A_176 = tpu.vector_load %arg14[%get3A_175] {strides = array<i32>} : memref<4368xf32, #tpu.memory_space<vmem>>, vector<16xf32>,
      %max3A_177 = arith.maximumf %get3A_172, %get3A_176 : vector<16xf32>
      %sub3A_178 = arith.constant 66 : i32
      %sub3A_179 = arith.subi %add3A_166, %sub3A_178 : i32
      %sub3A_180 = arith.constant 1 : i32
      %sub3A_181 = arith.subi %sub3A_179, %sub3A_180 : i32
      %get3A_182 = arith.index_cast %sub3A_181 : i32 to index
      %get3A_183 = tpu.vector_load %arg14[%get3A_182] {strides = array<i32>} : memref<4368xf32, #tpu.memory_space<vmem>>, vector<16xf32>,
      %sub3A_184 = arith.constant 66 : i32
      %sub3A_185 = arith.subi %add3A_166, %sub3A_184 : i32
      %get3A_186 = arith.index_cast %sub3A_185 : i32 to index
      %get3A_187 = tpu.vector_load %arg14[%get3A_186] {strides = array<i32>} : memref<4368xf32, #tpu.memory_space<vmem>>, vector<16xf32>,
      %max3A_188 = arith.maximumf %get3A_183, %get3A_187 : vector<16xf32>
      %max3A_189 = arith.maximumf %max3A_177, %max3A_188 : vector<16xf32>
      %sub3A_190 = arith.constant 66 : i32
      %sub3A_191 = arith.subi %add3A_166, %sub3A_190 : i32
      %add3A_192 = arith.constant 1 : i32
      %add3A_193 = arith.addi %sub3A_191, %add3A_192 : i32
      %get3A_194 = arith.index_cast %add3A_193 : i32 to index
      %get3A_195 = tpu.vector_load %arg14[%get3A_194] {strides = array<i32>} : memref<4368xf32, #tpu.memory_space<vmem>>, vector<16xf32>,
      %add3A_196 = arith.constant 66 : i32
      %add3A_197 = arith.addi %add3A_166, %add3A_196 : i32
      %sub3A_198 = arith.constant 1 : i32
      %sub3A_199 = arith.subi %add3A_197, %sub3A_198 : i32
      %get3A_200 = arith.index_cast %sub3A_199 : i32 to index
      %get3A_201 = tpu.vector_load %arg14[%get3A_200] {strides = array<i32>} : memref<4368xf32, #tpu.memory_space<vmem>>, vector<16xf32>,
      %max3A_202 = arith.maximumf %get3A_195, %get3A_201 : vector<16xf32>
      %max3A_203 = arith.maximumf %max3A_189, %max3A_202 : vector<16xf32>
      %add3A_204 = arith.constant 66 : i32
      %add3A_205 = arith.addi %add3A_166, %add3A_204 : i32
      %get3A_206 = arith.index_cast %add3A_205 : i32 to index
      %get3A_207 = tpu.vector_load %arg14[%get3A_206] {strides = array<i32>} : memref<4368xf32, #tpu.memory_space<vmem>>, vector<16xf32>,
      %add3A_208 = arith.constant 66 : i32
      %add3A_209 = arith.addi %add3A_166, %add3A_208 : i32
      %add3A_210 = arith.constant 1 : i32
      %add3A_211 = arith.addi %add3A_209, %add3A_210 : i32
      %get3A_212 = arith.index_cast %add3A_211 : i32 to index
      %get3A_213 = tpu.vector_load %arg14[%get3A_212] {strides = array<i32>} : memref<4368xf32, #tpu.memory_space<vmem>>, vector<16xf32>,
      %max3A_214 = arith.maximumf %get3A_207, %get3A_213 : vector<16xf32>
      %max3A_215 = arith.maximumf %max3A_203, %max3A_214 : vector<16xf32>
      %ge3A_216 = arith.cmpf oge, %get3A_168, %max3A_215 : vector<16xf32>
      %convert_element_type3A_217 = arith.extui %ge3A_216 : vector<16xi1> to vector<16xi32>
      %broadcast_in_dim3A_218 = arith.constant true
      %broadcast_in_dim3A_219 = vector.broadcast %broadcast_in_dim3A_218 : i1 to vector<16xi1>
      %masked_cumsum3A_220 = tpu.scan <sum>, %convert_element_type3A_217 masked %broadcast_in_dim3A_219 : vector<16xi32>, vector<16xi1> -> vector<16xi32>
      %mul3A_221 = arith.constant 2 : i32
      %mul3A_222 = arith.muli %scan3A_81, %mul3A_221 : i32
      %add3A_223 = arith.constant 0 : i32
      %add3A_224 = arith.addi %mul3A_222, %add3A_223 : i32
      %add3A_225 = arith.addi %scan3A_82, %masked_cumsum3A : vector<16xi32>
      %add3A_226 = arith.constant 15 : i32
      %add3A_227 = vector.broadcast %add3A_226 : i32 to vector<16xi32>
      %add3A_228 = arith.addi %add3A_225, %add3A_227 : vector<16xi32>
      %lt3A = arith.constant 1056 : i32
      %lt3A_229 = vector.broadcast %lt3A : i32 to vector<16xi32>
      %lt3A_230 = arith.cmpi slt, %add3A_228, %lt3A_229 : vector<16xi32>
      %and3A_231 = arith.andi %ge3A, %lt3A_230 : vector<16xi1>
      %all_reduce_population_count3A = tpu.all_reduce %and3A_231 {dim = 0 : i64, kind = #tpu.reduction_kind<sum>} : vector<16xi1> -> vector<16xi32>
      %mul3A_232 = arith.constant 16 : i32
      %mul3A_233 = arith.muli %add3A_224, %mul3A_232 : i32
      %add3A_234 = vector.broadcast %mul3A_233 : i32 to vector<16xi32>
      %add3A_235 = arith.addi %add3A_234, %iota3A : vector<16xi32>
      tpu.vector_store_idx %arg15[%add3A_228], %get3A_101 masked %and3A_231 : memref<1088xf32, #tpu.memory_space<vmem>>[vector<16xi32>], vector<16xf32>, vector<16xi1>
      tpu.vector_store_idx %arg16[%add3A_228], %add3A_235 masked %and3A_231 : memref<1056xi32, #tpu.memory_space<vmem>>[vector<16xi32>], vector<16xi32>, vector<16xi1>
      %add3A_236 = arith.addi %scan3A_82, %all_reduce_population_count3A : vector<16xi32>
      %mul3A_237 = arith.constant 2 : i32
      %mul3A_238 = arith.muli %scan3A_81, %mul3A_237 : i32
      %add3A_239 = arith.constant 1 : i32
      %add3A_240 = arith.addi %mul3A_238, %add3A_239 : i32
      %add3A_241 = arith.addi %add3A_236, %masked_cumsum3A_220 : vector<16xi32>
      %add3A_242 = arith.constant 15 : i32
      %add3A_243 = vector.broadcast %add3A_242 : i32 to vector<16xi32>
      %add3A_244 = arith.addi %add3A_241, %add3A_243 : vector<16xi32>
      %lt3A_245 = arith.constant 1056 : i32
      %lt3A_246 = vector.broadcast %lt3A_245 : i32 to vector<16xi32>
      %lt3A_247 = arith.cmpi slt, %add3A_244, %lt3A_246 : vector<16xi32>
      %and3A_248 = arith.andi %ge3A_216, %lt3A_247 : vector<16xi1>
      %all_reduce_population_count3A_249 = tpu.all_reduce %and3A_248 {dim = 0 : i64, kind = #tpu.reduction_kind<sum>} : vector<16xi1> -> vector<16xi32>
      %mul3A_250 = arith.constant 16 : i32
      %mul3A_251 = arith.muli %add3A_240, %mul3A_250 : i32
      %add3A_252 = vector.broadcast %mul3A_251 : i32 to vector<16xi32>
      %add3A_253 = arith.addi %add3A_252, %iota3A : vector<16xi32>
      tpu.vector_store_idx %arg15[%add3A_244], %get3A_168 masked %and3A_248 : memref<1088xf32, #tpu.memory_space<vmem>>[vector<16xi32>], vector<16xf32>, vector<16xi1>
      tpu.vector_store_idx %arg16[%add3A_244], %add3A_253 masked %and3A_248 : memref<1056xi32, #tpu.memory_space<vmem>>[vector<16xi32>], vector<16xi32>, vector<16xi1>
      %add3A_254 = arith.addi %add3A_236, %all_reduce_population_count3A_249 : vector<16xi32>
      scf.yield %add3A_254 : vector<16xi32>
    }
    %scan3A_33 = arith.constant 128 : i32
    %reduce_max3A = arith.constant true
    %reduce_max3A_34 = vector.broadcast %reduce_max3A : i1 to vector<16xi1>
    %reduce_max3A_35 = arith.constant -2147483648 : i32
    %reduce_max3A_36 = vector.broadcast %reduce_max3A_35 : i32 to vector<16xi32>
    %reduce_max3A_37 = arith.xori %scan3A_32, %reduce_max3A_36 : vector<16xi32>
    %reduce_max3A_38 = tpu.scan <max>, %reduce_max3A_37 masked %reduce_max3A_34 : vector<16xi32>, vector<16xi1> -> vector<16xi32>
    %reduce_max3A_39 = arith.xori %reduce_max3A_38, %reduce_max3A_36 : vector<16xi32>
    %reduce_max3A_40 = vector.extract %reduce_max3A_39[15] : i32 from vector<16xi32>
    %add3A_41 = arith.constant 15 : i32
    %add3A_42 = arith.addi %reduce_max3A_40, %add3A_41 : i32
    %shift_right_arithmetic3A_43 = arith.constant 4 : i32
    %shift_right_arithmetic3A_44 = arith.shrsi %add3A_42, %shift_right_arithmetic3A_43 : i32
    %scan3A_45 = arith.constant 0 : i32
    %scan3A_46 = arith.constant 0 : i32
    %scan3A_47 = arith.constant 63 : i32
    %scan3A_48 = arith.addi %scan3A_46, %scan3A_47 : i32
    %scan3A_49 = arith.constant 1 : i32
    %scan3A_50 = scf.for %scan3A_81 = %scan3A_46 to %scan3A_48 step %scan3A_49 iter_args(%scan3A_82 = %scan3A_45) -> (i32)  : i32 {
      %mul3A_83 = arith.constant 16 : i32
      %mul3A_84 = arith.muli %scan3A_81, %mul3A_83 : i32
      %swap3A = arith.index_cast %mul3A_84 : i32 to index
      %swap3A_85 = tpu.vector_load %arg17[%swap3A] {strides = array<i32>} : memref<1008xf32, #tpu.memory_space<vmem>>, vector<16xf32>,
      tpu.vector_store %arg17[%swap3A], %broadcast_in_dim3A_5 {strides = array<i32>} : memref<1008xf32, #tpu.memory_space<vmem>>, vector<16xf32>,
      %swap3A_86 = arith.index_cast %mul3A_84 : i32 to index
      %swap3A_87 = tpu.vector_load %arg18[%swap3A_86] {strides = array<i32>} : memref<1008xf32, #tpu.memory_space<vmem>>, vector<16xf32>,
      tpu.vector_store %arg18[%swap3A_86], %broadcast_in_dim3A_5 {strides = array<i32>} : memref<1008xf32, #tpu.memory_space<vmem>>, vector<16xf32>,
      %swap3A_88 = arith.index_cast %mul3A_84 : i32 to index
      %swap3A_89 = tpu.vector_load %arg19[%swap3A_88] {strides = array<i32>} : memref<1008xf32, #tpu.memory_space<vmem>>, vector<16xf32>,
      tpu.vector_store %arg19[%swap3A_88], %broadcast_in_dim3A_5 {strides = array<i32>} : memref<1008xf32, #tpu.memory_space<vmem>>, vector<16xf32>,
      %swap3A_90 = arith.index_cast %mul3A_84 : i32 to index
      %swap3A_91 = tpu.vector_load %arg20[%swap3A_90] {strides = array<i32>} : memref<1008xf32, #tpu.memory_space<vmem>>, vector<16xf32>,
      tpu.vector_store %arg20[%swap3A_90], %broadcast_in_dim3A_5 {strides = array<i32>} : memref<1008xf32, #tpu.memory_space<vmem>>, vector<16xf32>,
      %swap3A_92 = arith.index_cast %mul3A_84 : i32 to index
      %swap3A_93 = tpu.vector_load %arg21[%swap3A_92] {strides = array<i32>} : memref<1008xf32, #tpu.memory_space<vmem>>, vector<16xf32>,
      tpu.vector_store %arg21[%swap3A_92], %broadcast_in_dim3A_5 {strides = array<i32>} : memref<1008xf32, #tpu.memory_space<vmem>>, vector<16xf32>,
      %swap3A_94 = arith.index_cast %mul3A_84 : i32 to index
      %swap3A_95 = tpu.vector_load %arg22[%swap3A_94] {strides = array<i32>} : memref<1008xf32, #tpu.memory_space<vmem>>, vector<16xf32>,
      tpu.vector_store %arg22[%swap3A_94], %broadcast_in_dim3A_5 {strides = array<i32>} : memref<1008xf32, #tpu.memory_space<vmem>>, vector<16xf32>,
      %scan3A_96 = arith.constant 0 : i32
      scf.yield %scan3A_96 : i32
    }
    %scan3A_51 = arith.constant 63 : i32
    %get3A = arith.constant 0 : index
    %get3A_52 = tpu.vector_load %arg23[%get3A] {strides = array<i32>} : memref<16xf32, #tpu.memory_space<vmem>>, vector<16xf32>,
    %get3A_53 = arith.constant 0 : index
    %get3A_54 = tpu.vector_load %arg24[%get3A_53] {strides = array<i32>} : memref<16xf32, #tpu.memory_space<vmem>>, vector<16xf32>,
    %convert_element_type3A = arith.sitofp %add3A : i32 to f32
    %add3A_55 = vector.broadcast %convert_element_type3A : f32 to vector<16xf32>
    %add3A_56 = arith.addf %broadcast_in_dim3A_5, %add3A_55 : vector<16xf32>
    %while3A = arith.constant 0 : i32
    %while3A_57 = arith.constant 0 : i32
    %while3A_58 = arith.subi %shift_right_arithmetic3A_44, %while3A : i32
    %while3A_59 = arith.addi %while3A, %while3A_58 : i32
    %while3A_60 = arith.constant 1 : i32
    %while3A_61 = arith.divsi %while3A_58, %while3A_60 : i32
    %while3A_62 = arith.muli %while3A_61, %while3A_60 : i32
    %while3A_63 = arith.addi %while3A, %while3A_62 : i32
    %while3A_64 = arith.constant 1 : i32
    %while3A_65 = scf.for %while3A_81 = %while3A to %while3A_63 step %while3A_64 iter_args(%while3A_82 = %while3A_57) -> (i32)  : i32 {
      %mul3A_83 = arith.constant 16 : i32
      %mul3A_84 = arith.muli %while3A_81, %mul3A_83 : i32
      %add3A_85 = arith.constant 16 : i32
      %add3A_86 = arith.addi %add3A_85, %mul3A_84 : i32
      %get3A_87 = arith.index_cast %add3A_86 : i32 to index
      %get3A_88 = tpu.vector_load %arg15[%get3A_87] {strides = array<i32>} : memref<1088xf32, #tpu.memory_space<vmem>>, vector<16xf32>,
      %broadcast_in_dim3A_89 = arith.constant 0 : i32
      %broadcast_in_dim3A_90 = vector.broadcast %broadcast_in_dim3A_89 : i32 to vector<16xi32>
      %shift_right_arithmetic3A_91 = arith.constant 3 : i32
      %shift_right_arithmetic3A_92 = arith.shrsi %add3A_86, %shift_right_arithmetic3A_91 : i32
      %sub3A = arith.subi %shift_right_arithmetic3A_44, %while3A_81 : i32
      %mul3A_93 = arith.constant 2 : i32
      %mul3A_94 = arith.muli %sub3A, %mul3A_93 : i32
      %sub3A_95 = arith.subi %shift_right_arithmetic3A_92, %and3A_0 : i32
      %add3A_96 = arith.constant 1 : i32
      %add3A_97 = arith.addi %sub3A_95, %add3A_96 : i32
      %shift_right_arithmetic3A_98 = arith.constant 1 : i32
      %shift_right_arithmetic3A_99 = arith.shrsi %add3A_97, %shift_right_arithmetic3A_98 : i32
      %while3A_100 = arith.constant 0 : i32
      %while3A_101 = arith.subi %shift_right_arithmetic3A_99, %while3A_100 : i32
      %while3A_102 = arith.addi %while3A_100, %while3A_101 : i32
      %while3A_103 = arith.constant 1 : i32
      %while3A_104 = arith.divsi %while3A_101, %while3A_103 : i32
      %while3A_105 = arith.muli %while3A_104, %while3A_103 : i32
      %while3A_106 = arith.addi %while3A_100, %while3A_105 : i32
      %while3A_107 = arith.constant 1 : i32
      %while3A_108:4 = scf.for %while3A_134 = %while3A_100 to %while3A_106 step %while3A_107 iter_args(%while3A_135 = %broadcast_in_dim3A_90, %while3A_136 = %broadcast_in_dim3A_90, %while3A_137 = %broadcast_in_dim3A_90, %while3A_138 = %broadcast_in_dim3A_90) -> (vector<16xi32>, vector<16xi32>, vector<16xi32>, vector<16xi32>)  : i32 {
        %mul3A_139 = arith.constant 2 : i32
        %mul3A_140 = arith.muli %mul3A_139, %while3A_134 : i32
        %add3A_141 = arith.addi %mul3A_140, %and3A_0 : i32
        %mul3A_142 = arith.constant 8 : i32
        %mul3A_143 = arith.muli %add3A_141, %mul3A_142 : i32
        %add3A_144 = arith.constant 0 : i32
        %add3A_145 = arith.addi %mul3A_143, %add3A_144 : i32
        %get3A_146 = arith.index_cast %add3A_145 : i32 to index
        %get3A_147 = tpu.vector_load %arg15[%get3A_146] {strides = array<i32>} : memref<1088xf32, #tpu.memory_space<vmem>>, vector<16xf32>,
        %ge3A = arith.cmpf oge, %get3A_147, %get3A_88 : vector<16xf32>
        %convert_element_type3A_148 = arith.extui %ge3A : vector<16xi1> to vector<16xi32>
        %add3A_149 = arith.addi %while3A_135, %convert_element_type3A_148 : vector<16xi32>
        %add3A_150 = arith.constant 1 : i32
        %add3A_151 = arith.addi %mul3A_143, %add3A_150 : i32
        %get3A_152 = arith.index_cast %add3A_151 : i32 to index
        %get3A_153 = tpu.vector_load %arg15[%get3A_152] {strides = array<i32>} : memref<1088xf32, #tpu.memory_space<vmem>>, vector<16xf32>,
        %ge3A_154 = arith.cmpf oge, %get3A_153, %get3A_88 : vector<16xf32>
        %convert_element_type3A_155 = arith.extui %ge3A_154 : vector<16xi1> to vector<16xi32>
        %add3A_156 = arith.addi %while3A_136, %convert_element_type3A_155 : vector<16xi32>
        %add3A_157 = arith.constant 2 : i32
        %add3A_158 = arith.addi %mul3A_143, %add3A_157 : i32
        %get3A_159 = arith.index_cast %add3A_158 : i32 to index
        %get3A_160 = tpu.vector_load %arg15[%get3A_159] {strides = array<i32>} : memref<1088xf32, #tpu.memory_space<vmem>>, vector<16xf32>,
        %ge3A_161 = arith.cmpf oge, %get3A_160, %get3A_88 : vector<16xf32>
        %convert_element_type3A_162 = arith.extui %ge3A_161 : vector<16xi1> to vector<16xi32>
        %add3A_163 = arith.addi %while3A_137, %convert_element_type3A_162 : vector<16xi32>
        %add3A_164 = arith.constant 3 : i32
        %add3A_165 = arith.addi %mul3A_143, %add3A_164 : i32
        %get3A_166 = arith.index_cast %add3A_165 : i32 to index
        %get3A_167 = tpu.vector_load %arg15[%get3A_166] {strides = array<i32>} : memref<1088xf32, #tpu.memory_space<vmem>>, vector<16xf32>,
        %ge3A_168 = arith.cmpf oge, %get3A_167, %get3A_88 : vector<16xf32>
        %convert_element_type3A_169 = arith.extui %ge3A_168 : vector<16xi1> to vector<16xi32>
        %add3A_170 = arith.addi %while3A_138, %convert_element_type3A_169 : vector<16xi32>
        %add3A_171 = arith.constant 4 : i32
        %add3A_172 = arith.addi %mul3A_143, %add3A_171 : i32
        %get3A_173 = arith.index_cast %add3A_172 : i32 to index
        %get3A_174 = tpu.vector_load %arg15[%get3A_173] {strides = array<i32>} : memref<1088xf32, #tpu.memory_space<vmem>>, vector<16xf32>,
        %ge3A_175 = arith.cmpf oge, %get3A_174, %get3A_88 : vector<16xf32>
        %convert_element_type3A_176 = arith.extui %ge3A_175 : vector<16xi1> to vector<16xi32>
        %add3A_177 = arith.addi %add3A_149, %convert_element_type3A_176 : vector<16xi32>
        %add3A_178 = arith.constant 5 : i32
        %add3A_179 = arith.addi %mul3A_143, %add3A_178 : i32
        %get3A_180 = arith.index_cast %add3A_179 : i32 to index
        %get3A_181 = tpu.vector_load %arg15[%get3A_180] {strides = array<i32>} : memref<1088xf32, #tpu.memory_space<vmem>>, vector<16xf32>,
        %ge3A_182 = arith.cmpf oge, %get3A_181, %get3A_88 : vector<16xf32>
        %convert_element_type3A_183 = arith.extui %ge3A_182 : vector<16xi1> to vector<16xi32>
        %add3A_184 = arith.addi %add3A_156, %convert_element_type3A_183 : vector<16xi32>
        %add3A_185 = arith.constant 6 : i32
        %add3A_186 = arith.addi %mul3A_143, %add3A_185 : i32
        %get3A_187 = arith.index_cast %add3A_186 : i32 to index
        %get3A_188 = tpu.vector_load %arg15[%get3A_187] {strides = array<i32>} : memref<1088xf32, #tpu.memory_space<vmem>>, vector<16xf32>,
        %ge3A_189 = arith.cmpf oge, %get3A_188, %get3A_88 : vector<16xf32>
        %convert_element_type3A_190 = arith.extui %ge3A_189 : vector<16xi1> to vector<16xi32>
        %add3A_191 = arith.addi %add3A_163, %convert_element_type3A_190 : vector<16xi32>
        %add3A_192 = arith.constant 7 : i32
        %add3A_193 = arith.addi %mul3A_143, %add3A_192 : i32
        %get3A_194 = arith.index_cast %add3A_193 : i32 to index
        %get3A_195 = tpu.vector_load %arg15[%get3A_194] {strides = array<i32>} : memref<1088xf32, #tpu.memory_space<vmem>>, vector<16xf32>,
        %ge3A_196 = arith.cmpf oge, %get3A_195, %get3A_88 : vector<16xf32>
        %convert_element_type3A_197 = arith.extui %ge3A_196 : vector<16xi1> to vector<16xi32>
        %add3A_198 = arith.addi %add3A_170, %convert_element_type3A_197 : vector<16xi32>
        scf.yield %add3A_177, %add3A_184, %add3A_191, %add3A_198 : vector<16xi32>, vector<16xi32>, vector<16xi32>, vector<16xi32>
      }
      %while3A_109 = arith.constant 1 : i32
      %while3A_110:4 = scf.for %while3A_134 = %while3A_106 to %while3A_102 step %while3A_109 iter_args(%while3A_135 = %while3A_108#0, %while3A_136 = %while3A_108#1, %while3A_137 = %while3A_108#2, %while3A_138 = %while3A_108#3) -> (vector<16xi32>, vector<16xi32>, vector<16xi32>, vector<16xi32>)  : i32 {
        %mul3A_139 = arith.constant 2 : i32
        %mul3A_140 = arith.muli %mul3A_139, %while3A_134 : i32
        %add3A_141 = arith.addi %mul3A_140, %and3A_0 : i32
        %mul3A_142 = arith.constant 8 : i32
        %mul3A_143 = arith.muli %add3A_141, %mul3A_142 : i32
        %add3A_144 = arith.constant 0 : i32
        %add3A_145 = arith.addi %mul3A_143, %add3A_144 : i32
        %get3A_146 = arith.index_cast %add3A_145 : i32 to index
        %get3A_147 = tpu.vector_load %arg15[%get3A_146] {strides = array<i32>} : memref<1088xf32, #tpu.memory_space<vmem>>, vector<16xf32>,
        %ge3A = arith.cmpf oge, %get3A_147, %get3A_88 : vector<16xf32>
        %convert_element_type3A_148 = arith.extui %ge3A : vector<16xi1> to vector<16xi32>
        %add3A_149 = arith.addi %while3A_135, %convert_element_type3A_148 : vector<16xi32>
        %add3A_150 = arith.constant 1 : i32
        %add3A_151 = arith.addi %mul3A_143, %add3A_150 : i32
        %get3A_152 = arith.index_cast %add3A_151 : i32 to index
        %get3A_153 = tpu.vector_load %arg15[%get3A_152] {strides = array<i32>} : memref<1088xf32, #tpu.memory_space<vmem>>, vector<16xf32>,
        %ge3A_154 = arith.cmpf oge, %get3A_153, %get3A_88 : vector<16xf32>
        %convert_element_type3A_155 = arith.extui %ge3A_154 : vector<16xi1> to vector<16xi32>
        %add3A_156 = arith.addi %while3A_136, %convert_element_type3A_155 : vector<16xi32>
        %add3A_157 = arith.constant 2 : i32
        %add3A_158 = arith.addi %mul3A_143, %add3A_157 : i32
        %get3A_159 = arith.index_cast %add3A_158 : i32 to index
        %get3A_160 = tpu.vector_load %arg15[%get3A_159] {strides = array<i32>} : memref<1088xf32, #tpu.memory_space<vmem>>, vector<16xf32>,
        %ge3A_161 = arith.cmpf oge, %get3A_160, %get3A_88 : vector<16xf32>
        %convert_element_type3A_162 = arith.extui %ge3A_161 : vector<16xi1> to vector<16xi32>
        %add3A_163 = arith.addi %while3A_137, %convert_element_type3A_162 : vector<16xi32>
        %add3A_164 = arith.constant 3 : i32
        %add3A_165 = arith.addi %mul3A_143, %add3A_164 : i32
        %get3A_166 = arith.index_cast %add3A_165 : i32 to index
        %get3A_167 = tpu.vector_load %arg15[%get3A_166] {strides = array<i32>} : memref<1088xf32, #tpu.memory_space<vmem>>, vector<16xf32>,
        %ge3A_168 = arith.cmpf oge, %get3A_167, %get3A_88 : vector<16xf32>
        %convert_element_type3A_169 = arith.extui %ge3A_168 : vector<16xi1> to vector<16xi32>
        %add3A_170 = arith.addi %while3A_138, %convert_element_type3A_169 : vector<16xi32>
        %add3A_171 = arith.constant 4 : i32
        %add3A_172 = arith.addi %mul3A_143, %add3A_171 : i32
        %get3A_173 = arith.index_cast %add3A_172 : i32 to index
        %get3A_174 = tpu.vector_load %arg15[%get3A_173] {strides = array<i32>} : memref<1088xf32, #tpu.memory_space<vmem>>, vector<16xf32>,
        %ge3A_175 = arith.cmpf oge, %get3A_174, %get3A_88 : vector<16xf32>
        %convert_element_type3A_176 = arith.extui %ge3A_175 : vector<16xi1> to vector<16xi32>
        %add3A_177 = arith.addi %add3A_149, %convert_element_type3A_176 : vector<16xi32>
        %add3A_178 = arith.constant 5 : i32
        %add3A_179 = arith.addi %mul3A_143, %add3A_178 : i32
        %get3A_180 = arith.index_cast %add3A_179 : i32 to index
        %get3A_181 = tpu.vector_load %arg15[%get3A_180] {strides = array<i32>} : memref<1088xf32, #tpu.memory_space<vmem>>, vector<16xf32>,
        %ge3A_182 = arith.cmpf oge, %get3A_181, %get3A_88 : vector<16xf32>
        %convert_element_type3A_183 = arith.extui %ge3A_182 : vector<16xi1> to vector<16xi32>
        %add3A_184 = arith.addi %add3A_156, %convert_element_type3A_183 : vector<16xi32>
        %add3A_185 = arith.constant 6 : i32
        %add3A_186 = arith.addi %mul3A_143, %add3A_185 : i32
        %get3A_187 = arith.index_cast %add3A_186 : i32 to index
        %get3A_188 = tpu.vector_load %arg15[%get3A_187] {strides = array<i32>} : memref<1088xf32, #tpu.memory_space<vmem>>, vector<16xf32>,
        %ge3A_189 = arith.cmpf oge, %get3A_188, %get3A_88 : vector<16xf32>
        %convert_element_type3A_190 = arith.extui %ge3A_189 : vector<16xi1> to vector<16xi32>
        %add3A_191 = arith.addi %add3A_163, %convert_element_type3A_190 : vector<16xi32>
        %add3A_192 = arith.constant 7 : i32
        %add3A_193 = arith.addi %mul3A_143, %add3A_192 : i32
        %get3A_194 = arith.index_cast %add3A_193 : i32 to index
        %get3A_195 = tpu.vector_load %arg15[%get3A_194] {strides = array<i32>} : memref<1088xf32, #tpu.memory_space<vmem>>, vector<16xf32>,
        %ge3A_196 = arith.cmpf oge, %get3A_195, %get3A_88 : vector<16xf32>
        %convert_element_type3A_197 = arith.extui %ge3A_196 : vector<16xi1> to vector<16xi32>
        %add3A_198 = arith.addi %add3A_170, %convert_element_type3A_197 : vector<16xi32>
        scf.yield %add3A_177, %add3A_184, %add3A_191, %add3A_198 : vector<16xi32>, vector<16xi32>, vector<16xi32>, vector<16xi32>
      }
      %sub3A_111 = arith.subi %mul3A_94, %and3A_0 : i32
      %add3A_112 = arith.constant 1 : i32
      %add3A_113 = arith.addi %sub3A_111, %add3A_112 : i32
      %shift_right_arithmetic3A_114 = arith.constant 1 : i32
      %shift_right_arithmetic3A_115 = arith.shrsi %add3A_113, %shift_right_arithmetic3A_114 : i32
      %while3A_116 = arith.constant 0 : i32
      %while3A_117 = arith.subi %shift_right_arithmetic3A_115, %while3A_116 : i32
      %while3A_118 = arith.addi %while3A_116, %while3A_117 : i32
      %while3A_119 = arith.constant 1 : i32
      %while3A_120 = arith.divsi %while3A_117, %while3A_119 : i32
      %while3A_121 = arith.muli %while3A_120, %while3A_119 : i32
      %while3A_122 = arith.addi %while3A_116, %while3A_121 : i32
      %while3A_123 = arith.constant 1 : i32
      %while3A_124:4 = scf.for %while3A_134 = %while3A_116 to %while3A_122 step %while3A_123 iter_args(%while3A_135 = %while3A_110#0, %while3A_136 = %while3A_110#1, %while3A_137 = %while3A_110#2, %while3A_138 = %while3A_110#3) -> (vector<16xi32>, vector<16xi32>, vector<16xi32>, vector<16xi32>)  : i32 {
        %mul3A_139 = arith.constant 2 : i32
        %mul3A_140 = arith.muli %mul3A_139, %while3A_134 : i32
        %add3A_141 = arith.addi %mul3A_140, %and3A_0 : i32
        %mul3A_142 = arith.constant 8 : i32
        %mul3A_143 = arith.muli %add3A_141, %mul3A_142 : i32
        %add3A_144 = arith.addi %add3A_86, %mul3A_143 : i32
        %add3A_145 = arith.constant 0 : i32
        %add3A_146 = arith.addi %add3A_144, %add3A_145 : i32
        %get3A_147 = arith.index_cast %add3A_146 : i32 to index
        %get3A_148 = tpu.vector_load %arg15[%get3A_147] {strides = array<i32>} : memref<1088xf32, #tpu.memory_space<vmem>>, vector<16xf32>,
        %gt3A = arith.cmpf ogt, %get3A_148, %get3A_88 : vector<16xf32>
        %convert_element_type3A_149 = arith.extui %gt3A : vector<16xi1> to vector<16xi32>
        %add3A_150 = arith.addi %while3A_135, %convert_element_type3A_149 : vector<16xi32>
        %add3A_151 = arith.constant 1 : i32
        %add3A_152 = arith.addi %add3A_144, %add3A_151 : i32
        %get3A_153 = arith.index_cast %add3A_152 : i32 to index
        %get3A_154 = tpu.vector_load %arg15[%get3A_153] {strides = array<i32>} : memref<1088xf32, #tpu.memory_space<vmem>>, vector<16xf32>,
        %gt3A_155 = arith.cmpf ogt, %get3A_154, %get3A_88 : vector<16xf32>
        %convert_element_type3A_156 = arith.extui %gt3A_155 : vector<16xi1> to vector<16xi32>
        %add3A_157 = arith.addi %while3A_136, %convert_element_type3A_156 : vector<16xi32>
        %add3A_158 = arith.constant 2 : i32
        %add3A_159 = arith.addi %add3A_144, %add3A_158 : i32
        %get3A_160 = arith.index_cast %add3A_159 : i32 to index
        %get3A_161 = tpu.vector_load %arg15[%get3A_160] {strides = array<i32>} : memref<1088xf32, #tpu.memory_space<vmem>>, vector<16xf32>,
        %gt3A_162 = arith.cmpf ogt, %get3A_161, %get3A_88 : vector<16xf32>
        %convert_element_type3A_163 = arith.extui %gt3A_162 : vector<16xi1> to vector<16xi32>
        %add3A_164 = arith.addi %while3A_137, %convert_element_type3A_163 : vector<16xi32>
        %add3A_165 = arith.constant 3 : i32
        %add3A_166 = arith.addi %add3A_144, %add3A_165 : i32
        %get3A_167 = arith.index_cast %add3A_166 : i32 to index
        %get3A_168 = tpu.vector_load %arg15[%get3A_167] {strides = array<i32>} : memref<1088xf32, #tpu.memory_space<vmem>>, vector<16xf32>,
        %gt3A_169 = arith.cmpf ogt, %get3A_168, %get3A_88 : vector<16xf32>
        %convert_element_type3A_170 = arith.extui %gt3A_169 : vector<16xi1> to vector<16xi32>
        %add3A_171 = arith.addi %while3A_138, %convert_element_type3A_170 : vector<16xi32>
        %add3A_172 = arith.constant 4 : i32
        %add3A_173 = arith.addi %add3A_144, %add3A_172 : i32
        %get3A_174 = arith.index_cast %add3A_173 : i32 to index
        %get3A_175 = tpu.vector_load %arg15[%get3A_174] {strides = array<i32>} : memref<1088xf32, #tpu.memory_space<vmem>>, vector<16xf32>,
        %gt3A_176 = arith.cmpf ogt, %get3A_175, %get3A_88 : vector<16xf32>
        %convert_element_type3A_177 = arith.extui %gt3A_176 : vector<16xi1> to vector<16xi32>
        %add3A_178 = arith.addi %add3A_150, %convert_element_type3A_177 : vector<16xi32>
        %add3A_179 = arith.constant 5 : i32
        %add3A_180 = arith.addi %add3A_144, %add3A_179 : i32
        %get3A_181 = arith.index_cast %add3A_180 : i32 to index
        %get3A_182 = tpu.vector_load %arg15[%get3A_181] {strides = array<i32>} : memref<1088xf32, #tpu.memory_space<vmem>>, vector<16xf32>,
        %gt3A_183 = arith.cmpf ogt, %get3A_182, %get3A_88 : vector<16xf32>
        %convert_element_type3A_184 = arith.extui %gt3A_183 : vector<16xi1> to vector<16xi32>
        %add3A_185 = arith.addi %add3A_157, %convert_element_type3A_184 : vector<16xi32>
        %add3A_186 = arith.constant 6 : i32
        %add3A_187 = arith.addi %add3A_144, %add3A_186 : i32
        %get3A_188 = arith.index_cast %add3A_187 : i32 to index
        %get3A_189 = tpu.vector_load %arg15[%get3A_188] {strides = array<i32>} : memref<1088xf32, #tpu.memory_space<vmem>>, vector<16xf32>,
        %gt3A_190 = arith.cmpf ogt, %get3A_189, %get3A_88 : vector<16xf32>
        %convert_element_type3A_191 = arith.extui %gt3A_190 : vector<16xi1> to vector<16xi32>
        %add3A_192 = arith.addi %add3A_164, %convert_element_type3A_191 : vector<16xi32>
        %add3A_193 = arith.constant 7 : i32
        %add3A_194 = arith.addi %add3A_144, %add3A_193 : i32
        %get3A_195 = arith.index_cast %add3A_194 : i32 to index
        %get3A_196 = tpu.vector_load %arg15[%get3A_195] {strides = array<i32>} : memref<1088xf32, #tpu.memory_space<vmem>>, vector<16xf32>,
        %gt3A_197 = arith.cmpf ogt, %get3A_196, %get3A_88 : vector<16xf32>
        %convert_element_type3A_198 = arith.extui %gt3A_197 : vector<16xi1> to vector<16xi32>
        %add3A_199 = arith.addi %add3A_171, %convert_element_type3A_198 : vector<16xi32>
        scf.yield %add3A_178, %add3A_185, %add3A_192, %add3A_199 : vector<16xi32>, vector<16xi32>, vector<16xi32>, vector<16xi32>
      }
      %while3A_125 = arith.constant 1 : i32
      %while3A_126:4 = scf.for %while3A_134 = %while3A_122 to %while3A_118 step %while3A_125 iter_args(%while3A_135 = %while3A_124#0, %while3A_136 = %while3A_124#1, %while3A_137 = %while3A_124#2, %while3A_138 = %while3A_124#3) -> (vector<16xi32>, vector<16xi32>, vector<16xi32>, vector<16xi32>)  : i32 {
        %mul3A_139 = arith.constant 2 : i32
        %mul3A_140 = arith.muli %mul3A_139, %while3A_134 : i32
        %add3A_141 = arith.addi %mul3A_140, %and3A_0 : i32
        %mul3A_142 = arith.constant 8 : i32
        %mul3A_143 = arith.muli %add3A_141, %mul3A_142 : i32
        %add3A_144 = arith.addi %add3A_86, %mul3A_143 : i32
        %add3A_145 = arith.constant 0 : i32
        %add3A_146 = arith.addi %add3A_144, %add3A_145 : i32
        %get3A_147 = arith.index_cast %add3A_146 : i32 to index
        %get3A_148 = tpu.vector_load %arg15[%get3A_147] {strides = array<i32>} : memref<1088xf32, #tpu.memory_space<vmem>>, vector<16xf32>,
        %gt3A = arith.cmpf ogt, %get3A_148, %get3A_88 : vector<16xf32>
        %convert_element_type3A_149 = arith.extui %gt3A : vector<16xi1> to vector<16xi32>
        %add3A_150 = arith.addi %while3A_135, %convert_element_type3A_149 : vector<16xi32>
        %add3A_151 = arith.constant 1 : i32
        %add3A_152 = arith.addi %add3A_144, %add3A_151 : i32
        %get3A_153 = arith.index_cast %add3A_152 : i32 to index
        %get3A_154 = tpu.vector_load %arg15[%get3A_153] {strides = array<i32>} : memref<1088xf32, #tpu.memory_space<vmem>>, vector<16xf32>,
        %gt3A_155 = arith.cmpf ogt, %get3A_154, %get3A_88 : vector<16xf32>
        %convert_element_type3A_156 = arith.extui %gt3A_155 : vector<16xi1> to vector<16xi32>
        %add3A_157 = arith.addi %while3A_136, %convert_element_type3A_156 : vector<16xi32>
        %add3A_158 = arith.constant 2 : i32
        %add3A_159 = arith.addi %add3A_144, %add3A_158 : i32
        %get3A_160 = arith.index_cast %add3A_159 : i32 to index
        %get3A_161 = tpu.vector_load %arg15[%get3A_160] {strides = array<i32>} : memref<1088xf32, #tpu.memory_space<vmem>>, vector<16xf32>,
        %gt3A_162 = arith.cmpf ogt, %get3A_161, %get3A_88 : vector<16xf32>
        %convert_element_type3A_163 = arith.extui %gt3A_162 : vector<16xi1> to vector<16xi32>
        %add3A_164 = arith.addi %while3A_137, %convert_element_type3A_163 : vector<16xi32>
        %add3A_165 = arith.constant 3 : i32
        %add3A_166 = arith.addi %add3A_144, %add3A_165 : i32
        %get3A_167 = arith.index_cast %add3A_166 : i32 to index
        %get3A_168 = tpu.vector_load %arg15[%get3A_167] {strides = array<i32>} : memref<1088xf32, #tpu.memory_space<vmem>>, vector<16xf32>,
        %gt3A_169 = arith.cmpf ogt, %get3A_168, %get3A_88 : vector<16xf32>
        %convert_element_type3A_170 = arith.extui %gt3A_169 : vector<16xi1> to vector<16xi32>
        %add3A_171 = arith.addi %while3A_138, %convert_element_type3A_170 : vector<16xi32>
        %add3A_172 = arith.constant 4 : i32
        %add3A_173 = arith.addi %add3A_144, %add3A_172 : i32
        %get3A_174 = arith.index_cast %add3A_173 : i32 to index
        %get3A_175 = tpu.vector_load %arg15[%get3A_174] {strides = array<i32>} : memref<1088xf32, #tpu.memory_space<vmem>>, vector<16xf32>,
        %gt3A_176 = arith.cmpf ogt, %get3A_175, %get3A_88 : vector<16xf32>
        %convert_element_type3A_177 = arith.extui %gt3A_176 : vector<16xi1> to vector<16xi32>
        %add3A_178 = arith.addi %add3A_150, %convert_element_type3A_177 : vector<16xi32>
        %add3A_179 = arith.constant 5 : i32
        %add3A_180 = arith.addi %add3A_144, %add3A_179 : i32
        %get3A_181 = arith.index_cast %add3A_180 : i32 to index
        %get3A_182 = tpu.vector_load %arg15[%get3A_181] {strides = array<i32>} : memref<1088xf32, #tpu.memory_space<vmem>>, vector<16xf32>,
        %gt3A_183 = arith.cmpf ogt, %get3A_182, %get3A_88 : vector<16xf32>
        %convert_element_type3A_184 = arith.extui %gt3A_183 : vector<16xi1> to vector<16xi32>
        %add3A_185 = arith.addi %add3A_157, %convert_element_type3A_184 : vector<16xi32>
        %add3A_186 = arith.constant 6 : i32
        %add3A_187 = arith.addi %add3A_144, %add3A_186 : i32
        %get3A_188 = arith.index_cast %add3A_187 : i32 to index
        %get3A_189 = tpu.vector_load %arg15[%get3A_188] {strides = array<i32>} : memref<1088xf32, #tpu.memory_space<vmem>>, vector<16xf32>,
        %gt3A_190 = arith.cmpf ogt, %get3A_189, %get3A_88 : vector<16xf32>
        %convert_element_type3A_191 = arith.extui %gt3A_190 : vector<16xi1> to vector<16xi32>
        %add3A_192 = arith.addi %add3A_164, %convert_element_type3A_191 : vector<16xi32>
        %add3A_193 = arith.constant 7 : i32
        %add3A_194 = arith.addi %add3A_144, %add3A_193 : i32
        %get3A_195 = arith.index_cast %add3A_194 : i32 to index
        %get3A_196 = tpu.vector_load %arg15[%get3A_195] {strides = array<i32>} : memref<1088xf32, #tpu.memory_space<vmem>>, vector<16xf32>,
        %gt3A_197 = arith.cmpf ogt, %get3A_196, %get3A_88 : vector<16xf32>
        %convert_element_type3A_198 = arith.extui %gt3A_197 : vector<16xi1> to vector<16xi32>
        %add3A_199 = arith.addi %add3A_171, %convert_element_type3A_198 : vector<16xi32>
        scf.yield %add3A_178, %add3A_185, %add3A_192, %add3A_199 : vector<16xi32>, vector<16xi32>, vector<16xi32>, vector<16xi32>
      }
      %add3A_127 = arith.addi %while3A_126#0, %while3A_126#1 : vector<16xi32>
      %add3A_128 = arith.addi %while3A_126#2, %while3A_126#3 : vector<16xi32>
      %add3A_129 = arith.addi %add3A_127, %add3A_128 : vector<16xi32>
      %mul3A_130 = arith.constant 16 : i32
      %mul3A_131 = arith.muli %while3A_81, %mul3A_130 : i32
      %swap3A = arith.index_cast %mul3A_131 : i32 to index
      %swap3A_132 = tpu.vector_load %arg25[%swap3A] {strides = array<i32>} : memref<1056xi32, #tpu.memory_space<vmem>>, vector<16xi32>,
      tpu.vector_store %arg25[%swap3A], %add3A_129 {strides = array<i32>} : memref<1056xi32, #tpu.memory_space<vmem>>, vector<16xi32>,
      %while3A_133 = arith.constant 0 : i32
      scf.yield %while3A_133 : i32
    }
    %while3A_66 = arith.constant 1 : i32
    %while3A_67 = scf.for %while3A_81 = %while3A_63 to %while3A_59 step %while3A_66 iter_args(%while3A_82 = %while3A_65) -> (i32)  : i32 {
      %mul3A_83 = arith.constant 16 : i32
      %mul3A_84 = arith.muli %while3A_81, %mul3A_83 : i32
      %add3A_85 = arith.constant 16 : i32
      %add3A_86 = arith.addi %add3A_85, %mul3A_84 : i32
      %get3A_87 = arith.index_cast %add3A_86 : i32 to index
      %get3A_88 = tpu.vector_load %arg15[%get3A_87] {strides = array<i32>} : memref<1088xf32, #tpu.memory_space<vmem>>, vector<16xf32>,
      %broadcast_in_dim3A_89 = arith.constant 0 : i32
      %broadcast_in_dim3A_90 = vector.broadcast %broadcast_in_dim3A_89 : i32 to vector<16xi32>
      %shift_right_arithmetic3A_91 = arith.constant 3 : i32
      %shift_right_arithmetic3A_92 = arith.shrsi %add3A_86, %shift_right_arithmetic3A_91 : i32
      %sub3A = arith.subi %shift_right_arithmetic3A_44, %while3A_81 : i32
      %mul3A_93 = arith.constant 2 : i32
      %mul3A_94 = arith.muli %sub3A, %mul3A_93 : i32
      %sub3A_95 = arith.subi %shift_right_arithmetic3A_92, %and3A_0 : i32
      %add3A_96 = arith.constant 1 : i32
      %add3A_97 = arith.addi %sub3A_95, %add3A_96 : i32
      %shift_right_arithmetic3A_98 = arith.constant 1 : i32
      %shift_right_arithmetic3A_99 = arith.shrsi %add3A_97, %shift_right_arithmetic3A_98 : i32
      %while3A_100 = arith.constant 0 : i32
      %while3A_101 = arith.subi %shift_right_arithmetic3A_99, %while3A_100 : i32
      %while3A_102 = arith.addi %while3A_100, %while3A_101 : i32
      %while3A_103 = arith.constant 1 : i32
      %while3A_104 = arith.divsi %while3A_101, %while3A_103 : i32
      %while3A_105 = arith.muli %while3A_104, %while3A_103 : i32
      %while3A_106 = arith.addi %while3A_100, %while3A_105 : i32
      %while3A_107 = arith.constant 1 : i32
      %while3A_108:4 = scf.for %while3A_134 = %while3A_100 to %while3A_106 step %while3A_107 iter_args(%while3A_135 = %broadcast_in_dim3A_90, %while3A_136 = %broadcast_in_dim3A_90, %while3A_137 = %broadcast_in_dim3A_90, %while3A_138 = %broadcast_in_dim3A_90) -> (vector<16xi32>, vector<16xi32>, vector<16xi32>, vector<16xi32>)  : i32 {
        %mul3A_139 = arith.constant 2 : i32
        %mul3A_140 = arith.muli %mul3A_139, %while3A_134 : i32
        %add3A_141 = arith.addi %mul3A_140, %and3A_0 : i32
        %mul3A_142 = arith.constant 8 : i32
        %mul3A_143 = arith.muli %add3A_141, %mul3A_142 : i32
        %add3A_144 = arith.constant 0 : i32
        %add3A_145 = arith.addi %mul3A_143, %add3A_144 : i32
        %get3A_146 = arith.index_cast %add3A_145 : i32 to index
        %get3A_147 = tpu.vector_load %arg15[%get3A_146] {strides = array<i32>} : memref<1088xf32, #tpu.memory_space<vmem>>, vector<16xf32>,
        %ge3A = arith.cmpf oge, %get3A_147, %get3A_88 : vector<16xf32>
        %convert_element_type3A_148 = arith.extui %ge3A : vector<16xi1> to vector<16xi32>
        %add3A_149 = arith.addi %while3A_135, %convert_element_type3A_148 : vector<16xi32>
        %add3A_150 = arith.constant 1 : i32
        %add3A_151 = arith.addi %mul3A_143, %add3A_150 : i32
        %get3A_152 = arith.index_cast %add3A_151 : i32 to index
        %get3A_153 = tpu.vector_load %arg15[%get3A_152] {strides = array<i32>} : memref<1088xf32, #tpu.memory_space<vmem>>, vector<16xf32>,
        %ge3A_154 = arith.cmpf oge, %get3A_153, %get3A_88 : vector<16xf32>
        %convert_element_type3A_155 = arith.extui %ge3A_154 : vector<16xi1> to vector<16xi32>
        %add3A_156 = arith.addi %while3A_136, %convert_element_type3A_155 : vector<16xi32>
        %add3A_157 = arith.constant 2 : i32
        %add3A_158 = arith.addi %mul3A_143, %add3A_157 : i32
        %get3A_159 = arith.index_cast %add3A_158 : i32 to index
        %get3A_160 = tpu.vector_load %arg15[%get3A_159] {strides = array<i32>} : memref<1088xf32, #tpu.memory_space<vmem>>, vector<16xf32>,
        %ge3A_161 = arith.cmpf oge, %get3A_160, %get3A_88 : vector<16xf32>
        %convert_element_type3A_162 = arith.extui %ge3A_161 : vector<16xi1> to vector<16xi32>
        %add3A_163 = arith.addi %while3A_137, %convert_element_type3A_162 : vector<16xi32>
        %add3A_164 = arith.constant 3 : i32
        %add3A_165 = arith.addi %mul3A_143, %add3A_164 : i32
        %get3A_166 = arith.index_cast %add3A_165 : i32 to index
        %get3A_167 = tpu.vector_load %arg15[%get3A_166] {strides = array<i32>} : memref<1088xf32, #tpu.memory_space<vmem>>, vector<16xf32>,
        %ge3A_168 = arith.cmpf oge, %get3A_167, %get3A_88 : vector<16xf32>
        %convert_element_type3A_169 = arith.extui %ge3A_168 : vector<16xi1> to vector<16xi32>
        %add3A_170 = arith.addi %while3A_138, %convert_element_type3A_169 : vector<16xi32>
        %add3A_171 = arith.constant 4 : i32
        %add3A_172 = arith.addi %mul3A_143, %add3A_171 : i32
        %get3A_173 = arith.index_cast %add3A_172 : i32 to index
        %get3A_174 = tpu.vector_load %arg15[%get3A_173] {strides = array<i32>} : memref<1088xf32, #tpu.memory_space<vmem>>, vector<16xf32>,
        %ge3A_175 = arith.cmpf oge, %get3A_174, %get3A_88 : vector<16xf32>
        %convert_element_type3A_176 = arith.extui %ge3A_175 : vector<16xi1> to vector<16xi32>
        %add3A_177 = arith.addi %add3A_149, %convert_element_type3A_176 : vector<16xi32>
        %add3A_178 = arith.constant 5 : i32
        %add3A_179 = arith.addi %mul3A_143, %add3A_178 : i32
        %get3A_180 = arith.index_cast %add3A_179 : i32 to index
        %get3A_181 = tpu.vector_load %arg15[%get3A_180] {strides = array<i32>} : memref<1088xf32, #tpu.memory_space<vmem>>, vector<16xf32>,
        %ge3A_182 = arith.cmpf oge, %get3A_181, %get3A_88 : vector<16xf32>
        %convert_element_type3A_183 = arith.extui %ge3A_182 : vector<16xi1> to vector<16xi32>
        %add3A_184 = arith.addi %add3A_156, %convert_element_type3A_183 : vector<16xi32>
        %add3A_185 = arith.constant 6 : i32
        %add3A_186 = arith.addi %mul3A_143, %add3A_185 : i32
        %get3A_187 = arith.index_cast %add3A_186 : i32 to index
        %get3A_188 = tpu.vector_load %arg15[%get3A_187] {strides = array<i32>} : memref<1088xf32, #tpu.memory_space<vmem>>, vector<16xf32>,
        %ge3A_189 = arith.cmpf oge, %get3A_188, %get3A_88 : vector<16xf32>
        %convert_element_type3A_190 = arith.extui %ge3A_189 : vector<16xi1> to vector<16xi32>
        %add3A_191 = arith.addi %add3A_163, %convert_element_type3A_190 : vector<16xi32>
        %add3A_192 = arith.constant 7 : i32
        %add3A_193 = arith.addi %mul3A_143, %add3A_192 : i32
        %get3A_194 = arith.index_cast %add3A_193 : i32 to index
        %get3A_195 = tpu.vector_load %arg15[%get3A_194] {strides = array<i32>} : memref<1088xf32, #tpu.memory_space<vmem>>, vector<16xf32>,
        %ge3A_196 = arith.cmpf oge, %get3A_195, %get3A_88 : vector<16xf32>
        %convert_element_type3A_197 = arith.extui %ge3A_196 : vector<16xi1> to vector<16xi32>
        %add3A_198 = arith.addi %add3A_170, %convert_element_type3A_197 : vector<16xi32>
        scf.yield %add3A_177, %add3A_184, %add3A_191, %add3A_198 : vector<16xi32>, vector<16xi32>, vector<16xi32>, vector<16xi32>
      }
      %while3A_109 = arith.constant 1 : i32
      %while3A_110:4 = scf.for %while3A_134 = %while3A_106 to %while3A_102 step %while3A_109 iter_args(%while3A_135 = %while3A_108#0, %while3A_136 = %while3A_108#1, %while3A_137 = %while3A_108#2, %while3A_138 = %while3A_108#3) -> (vector<16xi32>, vector<16xi32>, vector<16xi32>, vector<16xi32>)  : i32 {
        %mul3A_139 = arith.constant 2 : i32
        %mul3A_140 = arith.muli %mul3A_139, %while3A_134 : i32
        %add3A_141 = arith.addi %mul3A_140, %and3A_0 : i32
        %mul3A_142 = arith.constant 8 : i32
        %mul3A_143 = arith.muli %add3A_141, %mul3A_142 : i32
        %add3A_144 = arith.constant 0 : i32
        %add3A_145 = arith.addi %mul3A_143, %add3A_144 : i32
        %get3A_146 = arith.index_cast %add3A_145 : i32 to index
        %get3A_147 = tpu.vector_load %arg15[%get3A_146] {strides = array<i32>} : memref<1088xf32, #tpu.memory_space<vmem>>, vector<16xf32>,
        %ge3A = arith.cmpf oge, %get3A_147, %get3A_88 : vector<16xf32>
        %convert_element_type3A_148 = arith.extui %ge3A : vector<16xi1> to vector<16xi32>
        %add3A_149 = arith.addi %while3A_135, %convert_element_type3A_148 : vector<16xi32>
        %add3A_150 = arith.constant 1 : i32
        %add3A_151 = arith.addi %mul3A_143, %add3A_150 : i32
        %get3A_152 = arith.index_cast %add3A_151 : i32 to index
        %get3A_153 = tpu.vector_load %arg15[%get3A_152] {strides = array<i32>} : memref<1088xf32, #tpu.memory_space<vmem>>, vector<16xf32>,
        %ge3A_154 = arith.cmpf oge, %get3A_153, %get3A_88 : vector<16xf32>
        %convert_element_type3A_155 = arith.extui %ge3A_154 : vector<16xi1> to vector<16xi32>
        %add3A_156 = arith.addi %while3A_136, %convert_element_type3A_155 : vector<16xi32>
        %add3A_157 = arith.constant 2 : i32
        %add3A_158 = arith.addi %mul3A_143, %add3A_157 : i32
        %get3A_159 = arith.index_cast %add3A_158 : i32 to index
        %get3A_160 = tpu.vector_load %arg15[%get3A_159] {strides = array<i32>} : memref<1088xf32, #tpu.memory_space<vmem>>, vector<16xf32>,
        %ge3A_161 = arith.cmpf oge, %get3A_160, %get3A_88 : vector<16xf32>
        %convert_element_type3A_162 = arith.extui %ge3A_161 : vector<16xi1> to vector<16xi32>
        %add3A_163 = arith.addi %while3A_137, %convert_element_type3A_162 : vector<16xi32>
        %add3A_164 = arith.constant 3 : i32
        %add3A_165 = arith.addi %mul3A_143, %add3A_164 : i32
        %get3A_166 = arith.index_cast %add3A_165 : i32 to index
        %get3A_167 = tpu.vector_load %arg15[%get3A_166] {strides = array<i32>} : memref<1088xf32, #tpu.memory_space<vmem>>, vector<16xf32>,
        %ge3A_168 = arith.cmpf oge, %get3A_167, %get3A_88 : vector<16xf32>
        %convert_element_type3A_169 = arith.extui %ge3A_168 : vector<16xi1> to vector<16xi32>
        %add3A_170 = arith.addi %while3A_138, %convert_element_type3A_169 : vector<16xi32>
        %add3A_171 = arith.constant 4 : i32
        %add3A_172 = arith.addi %mul3A_143, %add3A_171 : i32
        %get3A_173 = arith.index_cast %add3A_172 : i32 to index
        %get3A_174 = tpu.vector_load %arg15[%get3A_173] {strides = array<i32>} : memref<1088xf32, #tpu.memory_space<vmem>>, vector<16xf32>,
        %ge3A_175 = arith.cmpf oge, %get3A_174, %get3A_88 : vector<16xf32>
        %convert_element_type3A_176 = arith.extui %ge3A_175 : vector<16xi1> to vector<16xi32>
        %add3A_177 = arith.addi %add3A_149, %convert_element_type3A_176 : vector<16xi32>
        %add3A_178 = arith.constant 5 : i32
        %add3A_179 = arith.addi %mul3A_143, %add3A_178 : i32
        %get3A_180 = arith.index_cast %add3A_179 : i32 to index
        %get3A_181 = tpu.vector_load %arg15[%get3A_180] {strides = array<i32>} : memref<1088xf32, #tpu.memory_space<vmem>>, vector<16xf32>,
        %ge3A_182 = arith.cmpf oge, %get3A_181, %get3A_88 : vector<16xf32>
        %convert_element_type3A_183 = arith.extui %ge3A_182 : vector<16xi1> to vector<16xi32>
        %add3A_184 = arith.addi %add3A_156, %convert_element_type3A_183 : vector<16xi32>
        %add3A_185 = arith.constant 6 : i32
        %add3A_186 = arith.addi %mul3A_143, %add3A_185 : i32
        %get3A_187 = arith.index_cast %add3A_186 : i32 to index
        %get3A_188 = tpu.vector_load %arg15[%get3A_187] {strides = array<i32>} : memref<1088xf32, #tpu.memory_space<vmem>>, vector<16xf32>,
        %ge3A_189 = arith.cmpf oge, %get3A_188, %get3A_88 : vector<16xf32>
        %convert_element_type3A_190 = arith.extui %ge3A_189 : vector<16xi1> to vector<16xi32>
        %add3A_191 = arith.addi %add3A_163, %convert_element_type3A_190 : vector<16xi32>
        %add3A_192 = arith.constant 7 : i32
        %add3A_193 = arith.addi %mul3A_143, %add3A_192 : i32
        %get3A_194 = arith.index_cast %add3A_193 : i32 to index
        %get3A_195 = tpu.vector_load %arg15[%get3A_194] {strides = array<i32>} : memref<1088xf32, #tpu.memory_space<vmem>>, vector<16xf32>,
        %ge3A_196 = arith.cmpf oge, %get3A_195, %get3A_88 : vector<16xf32>
        %convert_element_type3A_197 = arith.extui %ge3A_196 : vector<16xi1> to vector<16xi32>
        %add3A_198 = arith.addi %add3A_170, %convert_element_type3A_197 : vector<16xi32>
        scf.yield %add3A_177, %add3A_184, %add3A_191, %add3A_198 : vector<16xi32>, vector<16xi32>, vector<16xi32>, vector<16xi32>
      }
      %sub3A_111 = arith.subi %mul3A_94, %and3A_0 : i32
      %add3A_112 = arith.constant 1 : i32
      %add3A_113 = arith.addi %sub3A_111, %add3A_112 : i32
      %shift_right_arithmetic3A_114 = arith.constant 1 : i32
      %shift_right_arithmetic3A_115 = arith.shrsi %add3A_113, %shift_right_arithmetic3A_114 : i32
      %while3A_116 = arith.constant 0 : i32
      %while3A_117 = arith.subi %shift_right_arithmetic3A_115, %while3A_116 : i32
      %while3A_118 = arith.addi %while3A_116, %while3A_117 : i32
      %while3A_119 = arith.constant 1 : i32
      %while3A_120 = arith.divsi %while3A_117, %while3A_119 : i32
      %while3A_121 = arith.muli %while3A_120, %while3A_119 : i32
      %while3A_122 = arith.addi %while3A_116, %while3A_121 : i32
      %while3A_123 = arith.constant 1 : i32
      %while3A_124:4 = scf.for %while3A_134 = %while3A_116 to %while3A_122 step %while3A_123 iter_args(%while3A_135 = %while3A_110#0, %while3A_136 = %while3A_110#1, %while3A_137 = %while3A_110#2, %while3A_138 = %while3A_110#3) -> (vector<16xi32>, vector<16xi32>, vector<16xi32>, vector<16xi32>)  : i32 {
        %mul3A_139 = arith.constant 2 : i32
        %mul3A_140 = arith.muli %mul3A_139, %while3A_134 : i32
        %add3A_141 = arith.addi %mul3A_140, %and3A_0 : i32
        %mul3A_142 = arith.constant 8 : i32
        %mul3A_143 = arith.muli %add3A_141, %mul3A_142 : i32
        %add3A_144 = arith.addi %add3A_86, %mul3A_143 : i32
        %add3A_145 = arith.constant 0 : i32
        %add3A_146 = arith.addi %add3A_144, %add3A_145 : i32
        %get3A_147 = arith.index_cast %add3A_146 : i32 to index
        %get3A_148 = tpu.vector_load %arg15[%get3A_147] {strides = array<i32>} : memref<1088xf32, #tpu.memory_space<vmem>>, vector<16xf32>,
        %gt3A = arith.cmpf ogt, %get3A_148, %get3A_88 : vector<16xf32>
        %convert_element_type3A_149 = arith.extui %gt3A : vector<16xi1> to vector<16xi32>
        %add3A_150 = arith.addi %while3A_135, %convert_element_type3A_149 : vector<16xi32>
        %add3A_151 = arith.constant 1 : i32
        %add3A_152 = arith.addi %add3A_144, %add3A_151 : i32
        %get3A_153 = arith.index_cast %add3A_152 : i32 to index
        %get3A_154 = tpu.vector_load %arg15[%get3A_153] {strides = array<i32>} : memref<1088xf32, #tpu.memory_space<vmem>>, vector<16xf32>,
        %gt3A_155 = arith.cmpf ogt, %get3A_154, %get3A_88 : vector<16xf32>
        %convert_element_type3A_156 = arith.extui %gt3A_155 : vector<16xi1> to vector<16xi32>
        %add3A_157 = arith.addi %while3A_136, %convert_element_type3A_156 : vector<16xi32>
        %add3A_158 = arith.constant 2 : i32
        %add3A_159 = arith.addi %add3A_144, %add3A_158 : i32
        %get3A_160 = arith.index_cast %add3A_159 : i32 to index
        %get3A_161 = tpu.vector_load %arg15[%get3A_160] {strides = array<i32>} : memref<1088xf32, #tpu.memory_space<vmem>>, vector<16xf32>,
        %gt3A_162 = arith.cmpf ogt, %get3A_161, %get3A_88 : vector<16xf32>
        %convert_element_type3A_163 = arith.extui %gt3A_162 : vector<16xi1> to vector<16xi32>
        %add3A_164 = arith.addi %while3A_137, %convert_element_type3A_163 : vector<16xi32>
        %add3A_165 = arith.constant 3 : i32
        %add3A_166 = arith.addi %add3A_144, %add3A_165 : i32
        %get3A_167 = arith.index_cast %add3A_166 : i32 to index
        %get3A_168 = tpu.vector_load %arg15[%get3A_167] {strides = array<i32>} : memref<1088xf32, #tpu.memory_space<vmem>>, vector<16xf32>,
        %gt3A_169 = arith.cmpf ogt, %get3A_168, %get3A_88 : vector<16xf32>
        %convert_element_type3A_170 = arith.extui %gt3A_169 : vector<16xi1> to vector<16xi32>
        %add3A_171 = arith.addi %while3A_138, %convert_element_type3A_170 : vector<16xi32>
        %add3A_172 = arith.constant 4 : i32
        %add3A_173 = arith.addi %add3A_144, %add3A_172 : i32
        %get3A_174 = arith.index_cast %add3A_173 : i32 to index
        %get3A_175 = tpu.vector_load %arg15[%get3A_174] {strides = array<i32>} : memref<1088xf32, #tpu.memory_space<vmem>>, vector<16xf32>,
        %gt3A_176 = arith.cmpf ogt, %get3A_175, %get3A_88 : vector<16xf32>
        %convert_element_type3A_177 = arith.extui %gt3A_176 : vector<16xi1> to vector<16xi32>
        %add3A_178 = arith.addi %add3A_150, %convert_element_type3A_177 : vector<16xi32>
        %add3A_179 = arith.constant 5 : i32
        %add3A_180 = arith.addi %add3A_144, %add3A_179 : i32
        %get3A_181 = arith.index_cast %add3A_180 : i32 to index
        %get3A_182 = tpu.vector_load %arg15[%get3A_181] {strides = array<i32>} : memref<1088xf32, #tpu.memory_space<vmem>>, vector<16xf32>,
        %gt3A_183 = arith.cmpf ogt, %get3A_182, %get3A_88 : vector<16xf32>
        %convert_element_type3A_184 = arith.extui %gt3A_183 : vector<16xi1> to vector<16xi32>
        %add3A_185 = arith.addi %add3A_157, %convert_element_type3A_184 : vector<16xi32>
        %add3A_186 = arith.constant 6 : i32
        %add3A_187 = arith.addi %add3A_144, %add3A_186 : i32
        %get3A_188 = arith.index_cast %add3A_187 : i32 to index
        %get3A_189 = tpu.vector_load %arg15[%get3A_188] {strides = array<i32>} : memref<1088xf32, #tpu.memory_space<vmem>>, vector<16xf32>,
        %gt3A_190 = arith.cmpf ogt, %get3A_189, %get3A_88 : vector<16xf32>
        %convert_element_type3A_191 = arith.extui %gt3A_190 : vector<16xi1> to vector<16xi32>
        %add3A_192 = arith.addi %add3A_164, %convert_element_type3A_191 : vector<16xi32>
        %add3A_193 = arith.constant 7 : i32
        %add3A_194 = arith.addi %add3A_144, %add3A_193 : i32
        %get3A_195 = arith.index_cast %add3A_194 : i32 to index
        %get3A_196 = tpu.vector_load %arg15[%get3A_195] {strides = array<i32>} : memref<1088xf32, #tpu.memory_space<vmem>>, vector<16xf32>,
        %gt3A_197 = arith.cmpf ogt, %get3A_196, %get3A_88 : vector<16xf32>
        %convert_element_type3A_198 = arith.extui %gt3A_197 : vector<16xi1> to vector<16xi32>
        %add3A_199 = arith.addi %add3A_171, %convert_element_type3A_198 : vector<16xi32>
        scf.yield %add3A_178, %add3A_185, %add3A_192, %add3A_199 : vector<16xi32>, vector<16xi32>, vector<16xi32>, vector<16xi32>
      }
      %while3A_125 = arith.constant 1 : i32
      %while3A_126:4 = scf.for %while3A_134 = %while3A_122 to %while3A_118 step %while3A_125 iter_args(%while3A_135 = %while3A_124#0, %while3A_136 = %while3A_124#1, %while3A_137 = %while3A_124#2, %while3A_138 = %while3A_124#3) -> (vector<16xi32>, vector<16xi32>, vector<16xi32>, vector<16xi32>)  : i32 {
        %mul3A_139 = arith.constant 2 : i32
        %mul3A_140 = arith.muli %mul3A_139, %while3A_134 : i32
        %add3A_141 = arith.addi %mul3A_140, %and3A_0 : i32
        %mul3A_142 = arith.constant 8 : i32
        %mul3A_143 = arith.muli %add3A_141, %mul3A_142 : i32
        %add3A_144 = arith.addi %add3A_86, %mul3A_143 : i32
        %add3A_145 = arith.constant 0 : i32
        %add3A_146 = arith.addi %add3A_144, %add3A_145 : i32
        %get3A_147 = arith.index_cast %add3A_146 : i32 to index
        %get3A_148 = tpu.vector_load %arg15[%get3A_147] {strides = array<i32>} : memref<1088xf32, #tpu.memory_space<vmem>>, vector<16xf32>,
        %gt3A = arith.cmpf ogt, %get3A_148, %get3A_88 : vector<16xf32>
        %convert_element_type3A_149 = arith.extui %gt3A : vector<16xi1> to vector<16xi32>
        %add3A_150 = arith.addi %while3A_135, %convert_element_type3A_149 : vector<16xi32>
        %add3A_151 = arith.constant 1 : i32
        %add3A_152 = arith.addi %add3A_144, %add3A_151 : i32
        %get3A_153 = arith.index_cast %add3A_152 : i32 to index
        %get3A_154 = tpu.vector_load %arg15[%get3A_153] {strides = array<i32>} : memref<1088xf32, #tpu.memory_space<vmem>>, vector<16xf32>,
        %gt3A_155 = arith.cmpf ogt, %get3A_154, %get3A_88 : vector<16xf32>
        %convert_element_type3A_156 = arith.extui %gt3A_155 : vector<16xi1> to vector<16xi32>
        %add3A_157 = arith.addi %while3A_136, %convert_element_type3A_156 : vector<16xi32>
        %add3A_158 = arith.constant 2 : i32
        %add3A_159 = arith.addi %add3A_144, %add3A_158 : i32
        %get3A_160 = arith.index_cast %add3A_159 : i32 to index
        %get3A_161 = tpu.vector_load %arg15[%get3A_160] {strides = array<i32>} : memref<1088xf32, #tpu.memory_space<vmem>>, vector<16xf32>,
        %gt3A_162 = arith.cmpf ogt, %get3A_161, %get3A_88 : vector<16xf32>
        %convert_element_type3A_163 = arith.extui %gt3A_162 : vector<16xi1> to vector<16xi32>
        %add3A_164 = arith.addi %while3A_137, %convert_element_type3A_163 : vector<16xi32>
        %add3A_165 = arith.constant 3 : i32
        %add3A_166 = arith.addi %add3A_144, %add3A_165 : i32
        %get3A_167 = arith.index_cast %add3A_166 : i32 to index
        %get3A_168 = tpu.vector_load %arg15[%get3A_167] {strides = array<i32>} : memref<1088xf32, #tpu.memory_space<vmem>>, vector<16xf32>,
        %gt3A_169 = arith.cmpf ogt, %get3A_168, %get3A_88 : vector<16xf32>
        %convert_element_type3A_170 = arith.extui %gt3A_169 : vector<16xi1> to vector<16xi32>
        %add3A_171 = arith.addi %while3A_138, %convert_element_type3A_170 : vector<16xi32>
        %add3A_172 = arith.constant 4 : i32
        %add3A_173 = arith.addi %add3A_144, %add3A_172 : i32
        %get3A_174 = arith.index_cast %add3A_173 : i32 to index
        %get3A_175 = tpu.vector_load %arg15[%get3A_174] {strides = array<i32>} : memref<1088xf32, #tpu.memory_space<vmem>>, vector<16xf32>,
        %gt3A_176 = arith.cmpf ogt, %get3A_175, %get3A_88 : vector<16xf32>
        %convert_element_type3A_177 = arith.extui %gt3A_176 : vector<16xi1> to vector<16xi32>
        %add3A_178 = arith.addi %add3A_150, %convert_element_type3A_177 : vector<16xi32>
        %add3A_179 = arith.constant 5 : i32
        %add3A_180 = arith.addi %add3A_144, %add3A_179 : i32
        %get3A_181 = arith.index_cast %add3A_180 : i32 to index
        %get3A_182 = tpu.vector_load %arg15[%get3A_181] {strides = array<i32>} : memref<1088xf32, #tpu.memory_space<vmem>>, vector<16xf32>,
        %gt3A_183 = arith.cmpf ogt, %get3A_182, %get3A_88 : vector<16xf32>
        %convert_element_type3A_184 = arith.extui %gt3A_183 : vector<16xi1> to vector<16xi32>
        %add3A_185 = arith.addi %add3A_157, %convert_element_type3A_184 : vector<16xi32>
        %add3A_186 = arith.constant 6 : i32
        %add3A_187 = arith.addi %add3A_144, %add3A_186 : i32
        %get3A_188 = arith.index_cast %add3A_187 : i32 to index
        %get3A_189 = tpu.vector_load %arg15[%get3A_188] {strides = array<i32>} : memref<1088xf32, #tpu.memory_space<vmem>>, vector<16xf32>,
        %gt3A_190 = arith.cmpf ogt, %get3A_189, %get3A_88 : vector<16xf32>
        %convert_element_type3A_191 = arith.extui %gt3A_190 : vector<16xi1> to vector<16xi32>
        %add3A_192 = arith.addi %add3A_164, %convert_element_type3A_191 : vector<16xi32>
        %add3A_193 = arith.constant 7 : i32
        %add3A_194 = arith.addi %add3A_144, %add3A_193 : i32
        %get3A_195 = arith.index_cast %add3A_194 : i32 to index
        %get3A_196 = tpu.vector_load %arg15[%get3A_195] {strides = array<i32>} : memref<1088xf32, #tpu.memory_space<vmem>>, vector<16xf32>,
        %gt3A_197 = arith.cmpf ogt, %get3A_196, %get3A_88 : vector<16xf32>
        %convert_element_type3A_198 = arith.extui %gt3A_197 : vector<16xi1> to vector<16xi32>
        %add3A_199 = arith.addi %add3A_171, %convert_element_type3A_198 : vector<16xi32>
        scf.yield %add3A_178, %add3A_185, %add3A_192, %add3A_199 : vector<16xi32>, vector<16xi32>, vector<16xi32>, vector<16xi32>
      }
      %add3A_127 = arith.addi %while3A_126#0, %while3A_126#1 : vector<16xi32>
      %add3A_128 = arith.addi %while3A_126#2, %while3A_126#3 : vector<16xi32>
      %add3A_129 = arith.addi %add3A_127, %add3A_128 : vector<16xi32>
      %mul3A_130 = arith.constant 16 : i32
      %mul3A_131 = arith.muli %while3A_81, %mul3A_130 : i32
      %swap3A = arith.index_cast %mul3A_131 : i32 to index
      %swap3A_132 = tpu.vector_load %arg25[%swap3A] {strides = array<i32>} : memref<1056xi32, #tpu.memory_space<vmem>>, vector<16xi32>,
      tpu.vector_store %arg25[%swap3A], %add3A_129 {strides = array<i32>} : memref<1056xi32, #tpu.memory_space<vmem>>, vector<16xi32>,
      %while3A_133 = arith.constant 0 : i32
      scf.yield %while3A_133 : i32
    }
    %eq3A = arith.constant 1 : i32
    %eq3A_68 = arith.cmpi eq, %and3A_0, %eq3A : i32
    %convert_element_type3A_69 = arith.extui %eq3A_68 : i1 to i32
    %cond3A = arith.constant 0 : i32
    %cond3A_70 = arith.cmpi ne, %convert_element_type3A_69, %cond3A : i32
    scf.if %cond3A_70 {
      "tpu.region"() ({
        %run_scoped3A_81 = tpu.sem_alloc : memref<!tpu.dma_semaphore, #tpu.memory_space<semaphore_mem>>
        %dma_start3A = arith.constant 0 : i32
        %dma_start3A_82 = tpu.memref_slice %arg27[%arg1, %dma_start3A] : memref<16x1056xi32, #tpu.memory_space<vmem_shared>> -> memref<1x1056xi32, #tpu.memory_space<vmem_shared>>
        %dma_start3A_83 = tpu.memref_squeeze %dma_start3A_82 : memref<1x1056xi32, #tpu.memory_space<vmem_shared>> -> memref<1056xi32, #tpu.memory_space<vmem_shared>>
        %dma_start3A_84 = arith.constant 0 : i32
        %dma_start3A_85 = tpu.memref_slice %arg27[%arg1, %dma_start3A_84] : memref<16x1056xi32, #tpu.memory_space<vmem_shared>> -> memref<1x1056xi32, #tpu.memory_space<vmem_shared>>
        %dma_start3A_86 = tpu.memref_squeeze %dma_start3A_85 : memref<1x1056xi32, #tpu.memory_space<vmem_shared>> -> memref<1056xi32, #tpu.memory_space<vmem_shared>>
        tpu.enqueue_dma source(%arg25 : memref<1056xi32, #tpu.memory_space<vmem>>) target(%dma_start3A_86 : memref<1056xi32, #tpu.memory_space<vmem_shared>>) target_semaphore(%run_scoped3A_81 : memref<!tpu.dma_semaphore, #tpu.memory_space<semaphore_mem>>)
        %dma_wait3A = arith.constant 0 : i32
        %dma_wait3A_87 = tpu.memref_slice %arg27[%arg1, %dma_wait3A] : memref<16x1056xi32, #tpu.memory_space<vmem_shared>> -> memref<1x1056xi32, #tpu.memory_space<vmem_shared>>
        %dma_wait3A_88 = tpu.memref_squeeze %dma_wait3A_87 : memref<1x1056xi32, #tpu.memory_space<vmem_shared>> -> memref<1056xi32, #tpu.memory_space<vmem_shared>>
        %dma_wait3A_89 = arith.constant 0 : i32
        %dma_wait3A_90 = tpu.memref_slice %arg27[%arg1, %dma_wait3A_89] : memref<16x1056xi32, #tpu.memory_space<vmem_shared>> -> memref<1x1056xi32, #tpu.memory_space<vmem_shared>>
        %dma_wait3A_91 = tpu.memref_squeeze %dma_wait3A_90 : memref<1x1056xi32, #tpu.memory_space<vmem_shared>> -> memref<1056xi32, #tpu.memory_space<vmem_shared>>
        tpu.wait_dma2 semaphore(%run_scoped3A_81 : memref<!tpu.dma_semaphore, #tpu.memory_space<semaphore_mem>>) src(%arg25 : memref<1056xi32, #tpu.memory_space<vmem>>) dst(%dma_wait3A_91 : memref<1056xi32, #tpu.memory_space<vmem_shared>>)
        tpu.yield
      }) : () -> ()
    } else {
    }
    %barrier3A = arith.constant 0 : index
    tpu.barrier barrier_id(%barrier3A)
    %eq3A_71 = arith.constant 0 : i32
    %eq3A_72 = arith.cmpi eq, %and3A_0, %eq3A_71 : i32
    %convert_element_type3A_73 = arith.extui %eq3A_72 : i1 to i32
    %cond3A_74 = arith.constant 0 : i32
    %cond3A_75 = arith.cmpi ne, %convert_element_type3A_73, %cond3A_74 : i32
    scf.if %cond3A_75 {
      %add3A_81 = arith.constant 1 : i32
      %add3A_82 = arith.addi %arg1, %add3A_81 : i32
      "tpu.region"() ({
        %run_scoped3A_83 = tpu.sem_alloc : memref<!tpu.dma_semaphore, #tpu.memory_space<semaphore_mem>>
        %dma_start3A = arith.constant 0 : i32
        %dma_start3A_84 = tpu.memref_slice %arg27[%add3A_82, %dma_start3A] : memref<16x1056xi32, #tpu.memory_space<vmem_shared>> -> memref<1x1056xi32, #tpu.memory_space<vmem_shared>>
        %dma_start3A_85 = tpu.memref_squeeze %dma_start3A_84 : memref<1x1056xi32, #tpu.memory_space<vmem_shared>> -> memref<1056xi32, #tpu.memory_space<vmem_shared>>
        %dma_start3A_86 = arith.constant 0 : i32
        %dma_start3A_87 = tpu.memref_slice %arg27[%add3A_82, %dma_start3A_86] : memref<16x1056xi32, #tpu.memory_space<vmem_shared>> -> memref<1x1056xi32, #tpu.memory_space<vmem_shared>>
        %dma_start3A_88 = tpu.memref_squeeze %dma_start3A_87 : memref<1x1056xi32, #tpu.memory_space<vmem_shared>> -> memref<1056xi32, #tpu.memory_space<vmem_shared>>
        tpu.enqueue_dma source(%dma_start3A_88 : memref<1056xi32, #tpu.memory_space<vmem_shared>>) target(%arg26 : memref<1056xi32, #tpu.memory_space<vmem>>) target_semaphore(%run_scoped3A_83 : memref<!tpu.dma_semaphore, #tpu.memory_space<semaphore_mem>>)
        %dma_wait3A = arith.constant 0 : i32
        %dma_wait3A_89 = tpu.memref_slice %arg27[%add3A_82, %dma_wait3A] : memref<16x1056xi32, #tpu.memory_space<vmem_shared>> -> memref<1x1056xi32, #tpu.memory_space<vmem_shared>>
        %dma_wait3A_90 = tpu.memref_squeeze %dma_wait3A_89 : memref<1x1056xi32, #tpu.memory_space<vmem_shared>> -> memref<1056xi32, #tpu.memory_space<vmem_shared>>
        %dma_wait3A_91 = arith.constant 0 : i32
        %dma_wait3A_92 = tpu.memref_slice %arg27[%add3A_82, %dma_wait3A_91] : memref<16x1056xi32, #tpu.memory_space<vmem_shared>> -> memref<1x1056xi32, #tpu.memory_space<vmem_shared>>
        %dma_wait3A_93 = tpu.memref_squeeze %dma_wait3A_92 : memref<1x1056xi32, #tpu.memory_space<vmem_shared>> -> memref<1056xi32, #tpu.memory_space<vmem_shared>>
        tpu.wait_dma2 semaphore(%run_scoped3A_83 : memref<!tpu.dma_semaphore, #tpu.memory_space<semaphore_mem>>) src(%dma_wait3A_93 : memref<1056xi32, #tpu.memory_space<vmem_shared>>) dst(%arg26 : memref<1056xi32, #tpu.memory_space<vmem>>)
        tpu.yield
      }) : () -> ()
    } else {
    }
    %eq3A_76 = arith.constant 0 : i32
    %eq3A_77 = arith.cmpi eq, %and3A_0, %eq3A_76 : i32
    %convert_element_type3A_78 = arith.extui %eq3A_77 : i1 to i32
    %cond3A_79 = arith.constant 0 : i32
    %cond3A_80 = arith.cmpi ne, %convert_element_type3A_78, %cond3A_79 : i32
    scf.if %cond3A_80 {
      %while3A_81 = arith.constant 0 : i32
      %while3A_82 = arith.constant 0 : i32
      %while3A_83 = arith.subi %shift_right_arithmetic3A_44, %while3A_81 : i32
      %while3A_84 = arith.addi %while3A_81, %while3A_83 : i32
      %while3A_85 = arith.constant 1 : i32
      %while3A_86 = arith.divsi %while3A_83, %while3A_85 : i32
      %while3A_87 = arith.muli %while3A_86, %while3A_85 : i32
      %while3A_88 = arith.addi %while3A_81, %while3A_87 : i32
      %while3A_89 = arith.constant 1 : i32
      %while3A_90 = scf.for %while3A_95 = %while3A_81 to %while3A_88 step %while3A_89 iter_args(%while3A_96 = %while3A_82) -> (i32)  : i32 {
        %mul3A_97 = arith.constant 16 : i32
        %mul3A_98 = arith.muli %while3A_95, %mul3A_97 : i32
        %add3A_99 = arith.constant 16 : i32
        %add3A_100 = arith.addi %add3A_99, %mul3A_98 : i32
        %get3A_101 = arith.index_cast %add3A_100 : i32 to index
        %get3A_102 = tpu.vector_load %arg15[%get3A_101] {strides = array<i32>} : memref<1088xf32, #tpu.memory_space<vmem>>, vector<16xf32>,
        %get3A_103 = arith.index_cast %add3A_100 : i32 to index
        %get3A_104 = tpu.vector_load %arg16[%get3A_103] {strides = array<i32>} : memref<1056xi32, #tpu.memory_space<vmem>>, vector<16xi32>,
        %mul3A_105 = arith.constant 16 : i32
        %mul3A_106 = arith.muli %while3A_95, %mul3A_105 : i32
        %get3A_107 = arith.index_cast %mul3A_106 : i32 to index
        %get3A_108 = tpu.vector_load %arg25[%get3A_107] {strides = array<i32>} : memref<1056xi32, #tpu.memory_space<vmem>>, vector<16xi32>,
        %mul3A_109 = arith.constant 16 : i32
        %mul3A_110 = arith.muli %while3A_95, %mul3A_109 : i32
        %get3A_111 = arith.index_cast %mul3A_110 : i32 to index
        %get3A_112 = tpu.vector_load %arg26[%get3A_111] {strides = array<i32>} : memref<1056xi32, #tpu.memory_space<vmem>>, vector<16xi32>,
        %add3A_113 = arith.addi %get3A_108, %get3A_112 : vector<16xi32>
        %gt3A = arith.constant 0.000000e+00 : f32
        %gt3A_114 = vector.broadcast %gt3A : f32 to vector<16xf32>
        %gt3A_115 = arith.cmpf ogt, %get3A_102, %gt3A_114 : vector<16xf32>
        %lt3A = arith.constant 1000 : i32
        %lt3A_116 = vector.broadcast %lt3A : i32 to vector<16xi32>
        %lt3A_117 = arith.cmpi slt, %add3A_113, %lt3A_116 : vector<16xi32>
        %and3A_118 = arith.andi %gt3A_115, %lt3A_117 : vector<16xi1>
        %min3A = arith.constant 1000 : i32
        %min3A_119 = vector.broadcast %min3A : i32 to vector<16xi32>
        %min3A_120 = arith.minsi %add3A_113, %min3A_119 : vector<16xi32>
        %and3A_121 = arith.constant 4095 : i32
        %and3A_122 = vector.broadcast %and3A_121 : i32 to vector<16xi32>
        %and3A_123 = arith.andi %get3A_104, %and3A_122 : vector<16xi32>
        %and3A_124 = arith.constant 63 : i32
        %and3A_125 = vector.broadcast %and3A_124 : i32 to vector<16xi32>
        %and3A_126 = arith.andi %and3A_123, %and3A_125 : vector<16xi32>
        %convert_element_type3A_127 = arith.sitofp %and3A_126 : vector<16xi32> to vector<16xf32>
        %shift_right_arithmetic3A_128 = arith.constant 6 : i32
        %shift_right_arithmetic3A_129 = vector.broadcast %shift_right_arithmetic3A_128 : i32 to vector<16xi32>
        %shift_right_arithmetic3A_130 = arith.shrsi %and3A_123, %shift_right_arithmetic3A_129 : vector<16xi32>
        %convert_element_type3A_131 = arith.sitofp %shift_right_arithmetic3A_130 : vector<16xi32> to vector<16xf32>
        %add3A_132 = arith.constant 5.000000e-01 : f32
        %add3A_133 = vector.broadcast %add3A_132 : f32 to vector<16xf32>
        %add3A_134 = arith.addf %convert_element_type3A_127, %add3A_133 : vector<16xf32>
        %mul3A_135 = arith.constant 8.000000e+00 : f32
        %mul3A_136 = vector.broadcast %mul3A_135 : f32 to vector<16xf32>
        %mul3A_137 = arith.mulf %add3A_134, %mul3A_136 : vector<16xf32>
        %add3A_138 = arith.constant 5.000000e-01 : f32
        %add3A_139 = vector.broadcast %add3A_138 : f32 to vector<16xf32>
        %add3A_140 = arith.addf %convert_element_type3A_131, %add3A_139 : vector<16xf32>
        %mul3A_141 = arith.constant 8.000000e+00 : f32
        %mul3A_142 = vector.broadcast %mul3A_141 : f32 to vector<16xf32>
        %mul3A_143 = arith.mulf %add3A_140, %mul3A_142 : vector<16xf32>
        %gather3A = tpu.vector_load_idx %arg12[%and3A_123] : memref<4096xf32, #tpu.memory_space<vmem>>[vector<16xi32>], vector<16xf32>,
        %gather3A_144 = tpu.vector_load_idx %arg13[%and3A_123] : memref<4096xf32, #tpu.memory_space<vmem>>[vector<16xi32>], vector<16xf32>,
        %neg3A = arith.constant 0.000000e+00 : f32
        %neg3A_145 = vector.broadcast %neg3A : f32 to vector<16xf32>
        %neg3A_146 = arith.subf %neg3A_145, %gather3A : vector<16xf32>
        %exp3A = math.exp %neg3A_146 : vector<16xf32>
        %add3A_147 = arith.constant 1.000000e+00 : f32
        %add3A_148 = vector.broadcast %add3A_147 : f32 to vector<16xf32>
        %add3A_149 = arith.addf %add3A_148, %exp3A : vector<16xf32>
        %div3A = arith.constant 1.000000e+00 : f32
        %div3A_150 = vector.broadcast %div3A : f32 to vector<16xf32>
        %div3A_151 = arith.divf %div3A_150, %add3A_149 : vector<16xf32>
        %mul3A_152 = arith.constant 2.400000e+02 : f32
        %mul3A_153 = vector.broadcast %mul3A_152 : f32 to vector<16xf32>
        %mul3A_154 = arith.mulf %div3A_151, %mul3A_153 : vector<16xf32>
        %add3A_155 = arith.constant 1.600000e+01 : f32
        %add3A_156 = vector.broadcast %add3A_155 : f32 to vector<16xf32>
        %add3A_157 = arith.addf %add3A_156, %mul3A_154 : vector<16xf32>
        %neg3A_158 = arith.constant 0.000000e+00 : f32
        %neg3A_159 = vector.broadcast %neg3A_158 : f32 to vector<16xf32>
        %neg3A_160 = arith.subf %neg3A_159, %gather3A_144 : vector<16xf32>
        %exp3A_161 = math.exp %neg3A_160 : vector<16xf32>
        %add3A_162 = arith.constant 1.000000e+00 : f32
        %add3A_163 = vector.broadcast %add3A_162 : f32 to vector<16xf32>
        %add3A_164 = arith.addf %add3A_163, %exp3A_161 : vector<16xf32>
        %div3A_165 = arith.constant 1.000000e+00 : f32
        %div3A_166 = vector.broadcast %div3A_165 : f32 to vector<16xf32>
        %div3A_167 = arith.divf %div3A_166, %add3A_164 : vector<16xf32>
        %mul3A_168 = arith.constant 2.500000e-01 : f32
        %mul3A_169 = vector.broadcast %mul3A_168 : f32 to vector<16xf32>
        %mul3A_170 = arith.mulf %mul3A_169, %div3A_167 : vector<16xf32>
        %add3A_171 = arith.constant 1.000000e+00 : f32
        %add3A_172 = vector.broadcast %add3A_171 : f32 to vector<16xf32>
        %add3A_173 = arith.addf %add3A_172, %mul3A_170 : vector<16xf32>
        %mul3A_174 = arith.mulf %add3A_157, %add3A_173 : vector<16xf32>
        %mul3A_175 = arith.constant 5.000000e-01 : f32
        %mul3A_176 = vector.broadcast %mul3A_175 : f32 to vector<16xf32>
        %mul3A_177 = arith.mulf %mul3A_174, %mul3A_176 : vector<16xf32>
        %sub3A = arith.subf %mul3A_137, %mul3A_177 : vector<16xf32>
        %sub3A_178 = arith.constant 1.000000e+00 : f32
        %sub3A_179 = vector.broadcast %sub3A_178 : f32 to vector<16xf32>
        %sub3A_180 = arith.subf %get3A_54, %sub3A_179 : vector<16xf32>
        %min3A_181 = arith.minimumf %sub3A, %sub3A_180 : vector<16xf32>
        %max3A = arith.constant 0.000000e+00 : f32
        %max3A_182 = vector.broadcast %max3A : f32 to vector<16xf32>
        %max3A_183 = arith.maximumf %min3A_181, %max3A_182 : vector<16xf32>
        %sub3A_184 = arith.subf %mul3A_143, %mul3A_177 : vector<16xf32>
        %sub3A_185 = arith.constant 1.000000e+00 : f32
        %sub3A_186 = vector.broadcast %sub3A_185 : f32 to vector<16xf32>
        %sub3A_187 = arith.subf %get3A_52, %sub3A_186 : vector<16xf32>
        %min3A_188 = arith.minimumf %sub3A_184, %sub3A_187 : vector<16xf32>
        %max3A_189 = arith.constant 0.000000e+00 : f32
        %max3A_190 = vector.broadcast %max3A_189 : f32 to vector<16xf32>
        %max3A_191 = arith.maximumf %min3A_188, %max3A_190 : vector<16xf32>
        %add3A_192 = arith.addf %mul3A_137, %mul3A_177 : vector<16xf32>
        %min3A_193 = arith.minimumf %add3A_192, %get3A_54 : vector<16xf32>
        %max3A_194 = arith.constant 1.000000e+00 : f32
        %max3A_195 = vector.broadcast %max3A_194 : f32 to vector<16xf32>
        %max3A_196 = arith.maximumf %min3A_193, %max3A_195 : vector<16xf32>
        %add3A_197 = arith.addf %mul3A_143, %mul3A_177 : vector<16xf32>
        %min3A_198 = arith.minimumf %add3A_197, %get3A_52 : vector<16xf32>
        %max3A_199 = arith.constant 1.000000e+00 : f32
        %max3A_200 = vector.broadcast %max3A_199 : f32 to vector<16xf32>
        %max3A_201 = arith.maximumf %min3A_198, %max3A_200 : vector<16xf32>
        tpu.vector_store_idx %arg17[%min3A_120], %add3A_56 masked %and3A_118 : memref<1008xf32, #tpu.memory_space<vmem>>[vector<16xi32>], vector<16xf32>, vector<16xi1>
        tpu.vector_store_idx %arg18[%min3A_120], %max3A_183 masked %and3A_118 : memref<1008xf32, #tpu.memory_space<vmem>>[vector<16xi32>], vector<16xf32>, vector<16xi1>
        tpu.vector_store_idx %arg19[%min3A_120], %max3A_191 masked %and3A_118 : memref<1008xf32, #tpu.memory_space<vmem>>[vector<16xi32>], vector<16xf32>, vector<16xi1>
        tpu.vector_store_idx %arg20[%min3A_120], %max3A_196 masked %and3A_118 : memref<1008xf32, #tpu.memory_space<vmem>>[vector<16xi32>], vector<16xf32>, vector<16xi1>
        tpu.vector_store_idx %arg21[%min3A_120], %max3A_201 masked %and3A_118 : memref<1008xf32, #tpu.memory_space<vmem>>[vector<16xi32>], vector<16xf32>, vector<16xi1>
        tpu.vector_store_idx %arg22[%min3A_120], %get3A_102 masked %and3A_118 : memref<1008xf32, #tpu.memory_space<vmem>>[vector<16xi32>], vector<16xf32>, vector<16xi1>
        %while3A_202 = arith.constant 0 : i32
        scf.yield %while3A_202 : i32
      }
      %while3A_91 = arith.constant 1 : i32
      %while3A_92 = scf.for %while3A_95 = %while3A_88 to %while3A_84 step %while3A_91 iter_args(%while3A_96 = %while3A_90) -> (i32)  : i32 {
        %mul3A_97 = arith.constant 16 : i32
        %mul3A_98 = arith.muli %while3A_95, %mul3A_97 : i32
        %add3A_99 = arith.constant 16 : i32
        %add3A_100 = arith.addi %add3A_99, %mul3A_98 : i32
        %get3A_101 = arith.index_cast %add3A_100 : i32 to index
        %get3A_102 = tpu.vector_load %arg15[%get3A_101] {strides = array<i32>} : memref<1088xf32, #tpu.memory_space<vmem>>, vector<16xf32>,
        %get3A_103 = arith.index_cast %add3A_100 : i32 to index
        %get3A_104 = tpu.vector_load %arg16[%get3A_103] {strides = array<i32>} : memref<1056xi32, #tpu.memory_space<vmem>>, vector<16xi32>,
        %mul3A_105 = arith.constant 16 : i32
        %mul3A_106 = arith.muli %while3A_95, %mul3A_105 : i32
        %get3A_107 = arith.index_cast %mul3A_106 : i32 to index
        %get3A_108 = tpu.vector_load %arg25[%get3A_107] {strides = array<i32>} : memref<1056xi32, #tpu.memory_space<vmem>>, vector<16xi32>,
        %mul3A_109 = arith.constant 16 : i32
        %mul3A_110 = arith.muli %while3A_95, %mul3A_109 : i32
        %get3A_111 = arith.index_cast %mul3A_110 : i32 to index
        %get3A_112 = tpu.vector_load %arg26[%get3A_111] {strides = array<i32>} : memref<1056xi32, #tpu.memory_space<vmem>>, vector<16xi32>,
        %add3A_113 = arith.addi %get3A_108, %get3A_112 : vector<16xi32>
        %gt3A = arith.constant 0.000000e+00 : f32
        %gt3A_114 = vector.broadcast %gt3A : f32 to vector<16xf32>
        %gt3A_115 = arith.cmpf ogt, %get3A_102, %gt3A_114 : vector<16xf32>
        %lt3A = arith.constant 1000 : i32
        %lt3A_116 = vector.broadcast %lt3A : i32 to vector<16xi32>
        %lt3A_117 = arith.cmpi slt, %add3A_113, %lt3A_116 : vector<16xi32>
        %and3A_118 = arith.andi %gt3A_115, %lt3A_117 : vector<16xi1>
        %min3A = arith.constant 1000 : i32
        %min3A_119 = vector.broadcast %min3A : i32 to vector<16xi32>
        %min3A_120 = arith.minsi %add3A_113, %min3A_119 : vector<16xi32>
        %and3A_121 = arith.constant 4095 : i32
        %and3A_122 = vector.broadcast %and3A_121 : i32 to vector<16xi32>
        %and3A_123 = arith.andi %get3A_104, %and3A_122 : vector<16xi32>
        %and3A_124 = arith.constant 63 : i32
        %and3A_125 = vector.broadcast %and3A_124 : i32 to vector<16xi32>
        %and3A_126 = arith.andi %and3A_123, %and3A_125 : vector<16xi32>
        %convert_element_type3A_127 = arith.sitofp %and3A_126 : vector<16xi32> to vector<16xf32>
        %shift_right_arithmetic3A_128 = arith.constant 6 : i32
        %shift_right_arithmetic3A_129 = vector.broadcast %shift_right_arithmetic3A_128 : i32 to vector<16xi32>
        %shift_right_arithmetic3A_130 = arith.shrsi %and3A_123, %shift_right_arithmetic3A_129 : vector<16xi32>
        %convert_element_type3A_131 = arith.sitofp %shift_right_arithmetic3A_130 : vector<16xi32> to vector<16xf32>
        %add3A_132 = arith.constant 5.000000e-01 : f32
        %add3A_133 = vector.broadcast %add3A_132 : f32 to vector<16xf32>
        %add3A_134 = arith.addf %convert_element_type3A_127, %add3A_133 : vector<16xf32>
        %mul3A_135 = arith.constant 8.000000e+00 : f32
        %mul3A_136 = vector.broadcast %mul3A_135 : f32 to vector<16xf32>
        %mul3A_137 = arith.mulf %add3A_134, %mul3A_136 : vector<16xf32>
        %add3A_138 = arith.constant 5.000000e-01 : f32
        %add3A_139 = vector.broadcast %add3A_138 : f32 to vector<16xf32>
        %add3A_140 = arith.addf %convert_element_type3A_131, %add3A_139 : vector<16xf32>
        %mul3A_141 = arith.constant 8.000000e+00 : f32
        %mul3A_142 = vector.broadcast %mul3A_141 : f32 to vector<16xf32>
        %mul3A_143 = arith.mulf %add3A_140, %mul3A_142 : vector<16xf32>
        %gather3A = tpu.vector_load_idx %arg12[%and3A_123] : memref<4096xf32, #tpu.memory_space<vmem>>[vector<16xi32>], vector<16xf32>,
        %gather3A_144 = tpu.vector_load_idx %arg13[%and3A_123] : memref<4096xf32, #tpu.memory_space<vmem>>[vector<16xi32>], vector<16xf32>,
        %neg3A = arith.constant 0.000000e+00 : f32
        %neg3A_145 = vector.broadcast %neg3A : f32 to vector<16xf32>
        %neg3A_146 = arith.subf %neg3A_145, %gather3A : vector<16xf32>
        %exp3A = math.exp %neg3A_146 : vector<16xf32>
        %add3A_147 = arith.constant 1.000000e+00 : f32
        %add3A_148 = vector.broadcast %add3A_147 : f32 to vector<16xf32>
        %add3A_149 = arith.addf %add3A_148, %exp3A : vector<16xf32>
        %div3A = arith.constant 1.000000e+00 : f32
        %div3A_150 = vector.broadcast %div3A : f32 to vector<16xf32>
        %div3A_151 = arith.divf %div3A_150, %add3A_149 : vector<16xf32>
        %mul3A_152 = arith.constant 2.400000e+02 : f32
        %mul3A_153 = vector.broadcast %mul3A_152 : f32 to vector<16xf32>
        %mul3A_154 = arith.mulf %div3A_151, %mul3A_153 : vector<16xf32>
        %add3A_155 = arith.constant 1.600000e+01 : f32
        %add3A_156 = vector.broadcast %add3A_155 : f32 to vector<16xf32>
        %add3A_157 = arith.addf %add3A_156, %mul3A_154 : vector<16xf32>
        %neg3A_158 = arith.constant 0.000000e+00 : f32
        %neg3A_159 = vector.broadcast %neg3A_158 : f32 to vector<16xf32>
        %neg3A_160 = arith.subf %neg3A_159, %gather3A_144 : vector<16xf32>
        %exp3A_161 = math.exp %neg3A_160 : vector<16xf32>
        %add3A_162 = arith.constant 1.000000e+00 : f32
        %add3A_163 = vector.broadcast %add3A_162 : f32 to vector<16xf32>
        %add3A_164 = arith.addf %add3A_163, %exp3A_161 : vector<16xf32>
        %div3A_165 = arith.constant 1.000000e+00 : f32
        %div3A_166 = vector.broadcast %div3A_165 : f32 to vector<16xf32>
        %div3A_167 = arith.divf %div3A_166, %add3A_164 : vector<16xf32>
        %mul3A_168 = arith.constant 2.500000e-01 : f32
        %mul3A_169 = vector.broadcast %mul3A_168 : f32 to vector<16xf32>
        %mul3A_170 = arith.mulf %mul3A_169, %div3A_167 : vector<16xf32>
        %add3A_171 = arith.constant 1.000000e+00 : f32
        %add3A_172 = vector.broadcast %add3A_171 : f32 to vector<16xf32>
        %add3A_173 = arith.addf %add3A_172, %mul3A_170 : vector<16xf32>
        %mul3A_174 = arith.mulf %add3A_157, %add3A_173 : vector<16xf32>
        %mul3A_175 = arith.constant 5.000000e-01 : f32
        %mul3A_176 = vector.broadcast %mul3A_175 : f32 to vector<16xf32>
        %mul3A_177 = arith.mulf %mul3A_174, %mul3A_176 : vector<16xf32>
        %sub3A = arith.subf %mul3A_137, %mul3A_177 : vector<16xf32>
        %sub3A_178 = arith.constant 1.000000e+00 : f32
        %sub3A_179 = vector.broadcast %sub3A_178 : f32 to vector<16xf32>
        %sub3A_180 = arith.subf %get3A_54, %sub3A_179 : vector<16xf32>
        %min3A_181 = arith.minimumf %sub3A, %sub3A_180 : vector<16xf32>
        %max3A = arith.constant 0.000000e+00 : f32
        %max3A_182 = vector.broadcast %max3A : f32 to vector<16xf32>
        %max3A_183 = arith.maximumf %min3A_181, %max3A_182 : vector<16xf32>
        %sub3A_184 = arith.subf %mul3A_143, %mul3A_177 : vector<16xf32>
        %sub3A_185 = arith.constant 1.000000e+00 : f32
        %sub3A_186 = vector.broadcast %sub3A_185 : f32 to vector<16xf32>
        %sub3A_187 = arith.subf %get3A_52, %sub3A_186 : vector<16xf32>
        %min3A_188 = arith.minimumf %sub3A_184, %sub3A_187 : vector<16xf32>
        %max3A_189 = arith.constant 0.000000e+00 : f32
        %max3A_190 = vector.broadcast %max3A_189 : f32 to vector<16xf32>
        %max3A_191 = arith.maximumf %min3A_188, %max3A_190 : vector<16xf32>
        %add3A_192 = arith.addf %mul3A_137, %mul3A_177 : vector<16xf32>
        %min3A_193 = arith.minimumf %add3A_192, %get3A_54 : vector<16xf32>
        %max3A_194 = arith.constant 1.000000e+00 : f32
        %max3A_195 = vector.broadcast %max3A_194 : f32 to vector<16xf32>
        %max3A_196 = arith.maximumf %min3A_193, %max3A_195 : vector<16xf32>
        %add3A_197 = arith.addf %mul3A_143, %mul3A_177 : vector<16xf32>
        %min3A_198 = arith.minimumf %add3A_197, %get3A_52 : vector<16xf32>
        %max3A_199 = arith.constant 1.000000e+00 : f32
        %max3A_200 = vector.broadcast %max3A_199 : f32 to vector<16xf32>
        %max3A_201 = arith.maximumf %min3A_198, %max3A_200 : vector<16xf32>
        tpu.vector_store_idx %arg17[%min3A_120], %add3A_56 masked %and3A_118 : memref<1008xf32, #tpu.memory_space<vmem>>[vector<16xi32>], vector<16xf32>, vector<16xi1>
        tpu.vector_store_idx %arg18[%min3A_120], %max3A_183 masked %and3A_118 : memref<1008xf32, #tpu.memory_space<vmem>>[vector<16xi32>], vector<16xf32>, vector<16xi1>
        tpu.vector_store_idx %arg19[%min3A_120], %max3A_191 masked %and3A_118 : memref<1008xf32, #tpu.memory_space<vmem>>[vector<16xi32>], vector<16xf32>, vector<16xi1>
        tpu.vector_store_idx %arg20[%min3A_120], %max3A_196 masked %and3A_118 : memref<1008xf32, #tpu.memory_space<vmem>>[vector<16xi32>], vector<16xf32>, vector<16xi1>
        tpu.vector_store_idx %arg21[%min3A_120], %max3A_201 masked %and3A_118 : memref<1008xf32, #tpu.memory_space<vmem>>[vector<16xi32>], vector<16xf32>, vector<16xi1>
        tpu.vector_store_idx %arg22[%min3A_120], %get3A_102 masked %and3A_118 : memref<1008xf32, #tpu.memory_space<vmem>>[vector<16xi32>], vector<16xf32>, vector<16xi1>
        %while3A_202 = arith.constant 0 : i32
        scf.yield %while3A_202 : i32
      }
      %mul3A_93 = arith.constant 1000 : i32
      %mul3A_94 = arith.muli %add3A, %mul3A_93 : i32
      "tpu.region"() ({
        %run_scoped3A_95 = tpu.sem_alloc : memref<!tpu.dma_semaphore, #tpu.memory_space<semaphore_mem>>
        %dma_start3A = arith.constant 0 : i32
        %dma_start3A_96 = tpu.memref_slice %arg17[%dma_start3A] : memref<1008xf32, #tpu.memory_space<vmem>> -> memref<1000xf32, #tpu.memory_space<vmem>>
        %dma_start3A_97 = tpu.memref_slice %arg5[%mul3A_94] : memref<16000xf32, #tpu.memory_space<hbm>> -> memref<1000xf32, #tpu.memory_space<hbm>>
        %dma_start3A_98 = tpu.memref_slice %arg5[%mul3A_94] : memref<16000xf32, #tpu.memory_space<hbm>> -> memref<1000xf32, #tpu.memory_space<hbm>>
        %dma_start3A_99 = arith.constant 0 : i32
        %dma_start3A_100 = tpu.memref_slice %arg17[%dma_start3A_99] : memref<1008xf32, #tpu.memory_space<vmem>> -> memref<1000xf32, #tpu.memory_space<vmem>>
        tpu.enqueue_dma source(%dma_start3A_100 : memref<1000xf32, #tpu.memory_space<vmem>>) target(%dma_start3A_98 : memref<1000xf32, #tpu.memory_space<hbm>>) target_semaphore(%run_scoped3A_95 : memref<!tpu.dma_semaphore, #tpu.memory_space<semaphore_mem>>)
        %dma_wait3A = arith.constant 0 : i32
        %dma_wait3A_101 = tpu.memref_slice %arg17[%dma_wait3A] : memref<1008xf32, #tpu.memory_space<vmem>> -> memref<1000xf32, #tpu.memory_space<vmem>>
        %dma_wait3A_102 = tpu.memref_slice %arg5[%mul3A_94] : memref<16000xf32, #tpu.memory_space<hbm>> -> memref<1000xf32, #tpu.memory_space<hbm>>
        %dma_wait3A_103 = tpu.memref_slice %arg5[%mul3A_94] : memref<16000xf32, #tpu.memory_space<hbm>> -> memref<1000xf32, #tpu.memory_space<hbm>>
        %dma_wait3A_104 = arith.constant 0 : i32
        %dma_wait3A_105 = tpu.memref_slice %arg17[%dma_wait3A_104] : memref<1008xf32, #tpu.memory_space<vmem>> -> memref<1000xf32, #tpu.memory_space<vmem>>
        tpu.wait_dma2 semaphore(%run_scoped3A_95 : memref<!tpu.dma_semaphore, #tpu.memory_space<semaphore_mem>>) src(%dma_wait3A_105 : memref<1000xf32, #tpu.memory_space<vmem>>) dst(%dma_wait3A_103 : memref<1000xf32, #tpu.memory_space<hbm>>)
        tpu.yield
      }) : () -> ()
      "tpu.region"() ({
        %run_scoped3A_95 = tpu.sem_alloc : memref<!tpu.dma_semaphore, #tpu.memory_space<semaphore_mem>>
        %dma_start3A = arith.constant 0 : i32
        %dma_start3A_96 = tpu.memref_slice %arg18[%dma_start3A] : memref<1008xf32, #tpu.memory_space<vmem>> -> memref<1000xf32, #tpu.memory_space<vmem>>
        %dma_start3A_97 = tpu.memref_slice %arg6[%mul3A_94] : memref<16000xf32, #tpu.memory_space<hbm>> -> memref<1000xf32, #tpu.memory_space<hbm>>
        %dma_start3A_98 = tpu.memref_slice %arg6[%mul3A_94] : memref<16000xf32, #tpu.memory_space<hbm>> -> memref<1000xf32, #tpu.memory_space<hbm>>
        %dma_start3A_99 = arith.constant 0 : i32
        %dma_start3A_100 = tpu.memref_slice %arg18[%dma_start3A_99] : memref<1008xf32, #tpu.memory_space<vmem>> -> memref<1000xf32, #tpu.memory_space<vmem>>
        tpu.enqueue_dma source(%dma_start3A_100 : memref<1000xf32, #tpu.memory_space<vmem>>) target(%dma_start3A_98 : memref<1000xf32, #tpu.memory_space<hbm>>) target_semaphore(%run_scoped3A_95 : memref<!tpu.dma_semaphore, #tpu.memory_space<semaphore_mem>>)
        %dma_wait3A = arith.constant 0 : i32
        %dma_wait3A_101 = tpu.memref_slice %arg18[%dma_wait3A] : memref<1008xf32, #tpu.memory_space<vmem>> -> memref<1000xf32, #tpu.memory_space<vmem>>
        %dma_wait3A_102 = tpu.memref_slice %arg6[%mul3A_94] : memref<16000xf32, #tpu.memory_space<hbm>> -> memref<1000xf32, #tpu.memory_space<hbm>>
        %dma_wait3A_103 = tpu.memref_slice %arg6[%mul3A_94] : memref<16000xf32, #tpu.memory_space<hbm>> -> memref<1000xf32, #tpu.memory_space<hbm>>
        %dma_wait3A_104 = arith.constant 0 : i32
        %dma_wait3A_105 = tpu.memref_slice %arg18[%dma_wait3A_104] : memref<1008xf32, #tpu.memory_space<vmem>> -> memref<1000xf32, #tpu.memory_space<vmem>>
        tpu.wait_dma2 semaphore(%run_scoped3A_95 : memref<!tpu.dma_semaphore, #tpu.memory_space<semaphore_mem>>) src(%dma_wait3A_105 : memref<1000xf32, #tpu.memory_space<vmem>>) dst(%dma_wait3A_103 : memref<1000xf32, #tpu.memory_space<hbm>>)
        tpu.yield
      }) : () -> ()
      "tpu.region"() ({
        %run_scoped3A_95 = tpu.sem_alloc : memref<!tpu.dma_semaphore, #tpu.memory_space<semaphore_mem>>
        %dma_start3A = arith.constant 0 : i32
        %dma_start3A_96 = tpu.memref_slice %arg19[%dma_start3A] : memref<1008xf32, #tpu.memory_space<vmem>> -> memref<1000xf32, #tpu.memory_space<vmem>>
        %dma_start3A_97 = tpu.memref_slice %arg7[%mul3A_94] : memref<16000xf32, #tpu.memory_space<hbm>> -> memref<1000xf32, #tpu.memory_space<hbm>>
        %dma_start3A_98 = tpu.memref_slice %arg7[%mul3A_94] : memref<16000xf32, #tpu.memory_space<hbm>> -> memref<1000xf32, #tpu.memory_space<hbm>>
        %dma_start3A_99 = arith.constant 0 : i32
        %dma_start3A_100 = tpu.memref_slice %arg19[%dma_start3A_99] : memref<1008xf32, #tpu.memory_space<vmem>> -> memref<1000xf32, #tpu.memory_space<vmem>>
        tpu.enqueue_dma source(%dma_start3A_100 : memref<1000xf32, #tpu.memory_space<vmem>>) target(%dma_start3A_98 : memref<1000xf32, #tpu.memory_space<hbm>>) target_semaphore(%run_scoped3A_95 : memref<!tpu.dma_semaphore, #tpu.memory_space<semaphore_mem>>)
        %dma_wait3A = arith.constant 0 : i32
        %dma_wait3A_101 = tpu.memref_slice %arg19[%dma_wait3A] : memref<1008xf32, #tpu.memory_space<vmem>> -> memref<1000xf32, #tpu.memory_space<vmem>>
        %dma_wait3A_102 = tpu.memref_slice %arg7[%mul3A_94] : memref<16000xf32, #tpu.memory_space<hbm>> -> memref<1000xf32, #tpu.memory_space<hbm>>
        %dma_wait3A_103 = tpu.memref_slice %arg7[%mul3A_94] : memref<16000xf32, #tpu.memory_space<hbm>> -> memref<1000xf32, #tpu.memory_space<hbm>>
        %dma_wait3A_104 = arith.constant 0 : i32
        %dma_wait3A_105 = tpu.memref_slice %arg19[%dma_wait3A_104] : memref<1008xf32, #tpu.memory_space<vmem>> -> memref<1000xf32, #tpu.memory_space<vmem>>
        tpu.wait_dma2 semaphore(%run_scoped3A_95 : memref<!tpu.dma_semaphore, #tpu.memory_space<semaphore_mem>>) src(%dma_wait3A_105 : memref<1000xf32, #tpu.memory_space<vmem>>) dst(%dma_wait3A_103 : memref<1000xf32, #tpu.memory_space<hbm>>)
        tpu.yield
      }) : () -> ()
      "tpu.region"() ({
        %run_scoped3A_95 = tpu.sem_alloc : memref<!tpu.dma_semaphore, #tpu.memory_space<semaphore_mem>>
        %dma_start3A = arith.constant 0 : i32
        %dma_start3A_96 = tpu.memref_slice %arg20[%dma_start3A] : memref<1008xf32, #tpu.memory_space<vmem>> -> memref<1000xf32, #tpu.memory_space<vmem>>
        %dma_start3A_97 = tpu.memref_slice %arg8[%mul3A_94] : memref<16000xf32, #tpu.memory_space<hbm>> -> memref<1000xf32, #tpu.memory_space<hbm>>
        %dma_start3A_98 = tpu.memref_slice %arg8[%mul3A_94] : memref<16000xf32, #tpu.memory_space<hbm>> -> memref<1000xf32, #tpu.memory_space<hbm>>
        %dma_start3A_99 = arith.constant 0 : i32
        %dma_start3A_100 = tpu.memref_slice %arg20[%dma_start3A_99] : memref<1008xf32, #tpu.memory_space<vmem>> -> memref<1000xf32, #tpu.memory_space<vmem>>
        tpu.enqueue_dma source(%dma_start3A_100 : memref<1000xf32, #tpu.memory_space<vmem>>) target(%dma_start3A_98 : memref<1000xf32, #tpu.memory_space<hbm>>) target_semaphore(%run_scoped3A_95 : memref<!tpu.dma_semaphore, #tpu.memory_space<semaphore_mem>>)
        %dma_wait3A = arith.constant 0 : i32
        %dma_wait3A_101 = tpu.memref_slice %arg20[%dma_wait3A] : memref<1008xf32, #tpu.memory_space<vmem>> -> memref<1000xf32, #tpu.memory_space<vmem>>
        %dma_wait3A_102 = tpu.memref_slice %arg8[%mul3A_94] : memref<16000xf32, #tpu.memory_space<hbm>> -> memref<1000xf32, #tpu.memory_space<hbm>>
        %dma_wait3A_103 = tpu.memref_slice %arg8[%mul3A_94] : memref<16000xf32, #tpu.memory_space<hbm>> -> memref<1000xf32, #tpu.memory_space<hbm>>
        %dma_wait3A_104 = arith.constant 0 : i32
        %dma_wait3A_105 = tpu.memref_slice %arg20[%dma_wait3A_104] : memref<1008xf32, #tpu.memory_space<vmem>> -> memref<1000xf32, #tpu.memory_space<vmem>>
        tpu.wait_dma2 semaphore(%run_scoped3A_95 : memref<!tpu.dma_semaphore, #tpu.memory_space<semaphore_mem>>) src(%dma_wait3A_105 : memref<1000xf32, #tpu.memory_space<vmem>>) dst(%dma_wait3A_103 : memref<1000xf32, #tpu.memory_space<hbm>>)
        tpu.yield
      }) : () -> ()
      "tpu.region"() ({
        %run_scoped3A_95 = tpu.sem_alloc : memref<!tpu.dma_semaphore, #tpu.memory_space<semaphore_mem>>
        %dma_start3A = arith.constant 0 : i32
        %dma_start3A_96 = tpu.memref_slice %arg21[%dma_start3A] : memref<1008xf32, #tpu.memory_space<vmem>> -> memref<1000xf32, #tpu.memory_space<vmem>>
        %dma_start3A_97 = tpu.memref_slice %arg9[%mul3A_94] : memref<16000xf32, #tpu.memory_space<hbm>> -> memref<1000xf32, #tpu.memory_space<hbm>>
        %dma_start3A_98 = tpu.memref_slice %arg9[%mul3A_94] : memref<16000xf32, #tpu.memory_space<hbm>> -> memref<1000xf32, #tpu.memory_space<hbm>>
        %dma_start3A_99 = arith.constant 0 : i32
        %dma_start3A_100 = tpu.memref_slice %arg21[%dma_start3A_99] : memref<1008xf32, #tpu.memory_space<vmem>> -> memref<1000xf32, #tpu.memory_space<vmem>>
        tpu.enqueue_dma source(%dma_start3A_100 : memref<1000xf32, #tpu.memory_space<vmem>>) target(%dma_start3A_98 : memref<1000xf32, #tpu.memory_space<hbm>>) target_semaphore(%run_scoped3A_95 : memref<!tpu.dma_semaphore, #tpu.memory_space<semaphore_mem>>)
        %dma_wait3A = arith.constant 0 : i32
        %dma_wait3A_101 = tpu.memref_slice %arg21[%dma_wait3A] : memref<1008xf32, #tpu.memory_space<vmem>> -> memref<1000xf32, #tpu.memory_space<vmem>>
        %dma_wait3A_102 = tpu.memref_slice %arg9[%mul3A_94] : memref<16000xf32, #tpu.memory_space<hbm>> -> memref<1000xf32, #tpu.memory_space<hbm>>
        %dma_wait3A_103 = tpu.memref_slice %arg9[%mul3A_94] : memref<16000xf32, #tpu.memory_space<hbm>> -> memref<1000xf32, #tpu.memory_space<hbm>>
        %dma_wait3A_104 = arith.constant 0 : i32
        %dma_wait3A_105 = tpu.memref_slice %arg21[%dma_wait3A_104] : memref<1008xf32, #tpu.memory_space<vmem>> -> memref<1000xf32, #tpu.memory_space<vmem>>
        tpu.wait_dma2 semaphore(%run_scoped3A_95 : memref<!tpu.dma_semaphore, #tpu.memory_space<semaphore_mem>>) src(%dma_wait3A_105 : memref<1000xf32, #tpu.memory_space<vmem>>) dst(%dma_wait3A_103 : memref<1000xf32, #tpu.memory_space<hbm>>)
        tpu.yield
      }) : () -> ()
      "tpu.region"() ({
        %run_scoped3A_95 = tpu.sem_alloc : memref<!tpu.dma_semaphore, #tpu.memory_space<semaphore_mem>>
        %dma_start3A = arith.constant 0 : i32
        %dma_start3A_96 = tpu.memref_slice %arg22[%dma_start3A] : memref<1008xf32, #tpu.memory_space<vmem>> -> memref<1000xf32, #tpu.memory_space<vmem>>
        %dma_start3A_97 = tpu.memref_slice %arg10[%mul3A_94] : memref<16000xf32, #tpu.memory_space<hbm>> -> memref<1000xf32, #tpu.memory_space<hbm>>
        %dma_start3A_98 = tpu.memref_slice %arg10[%mul3A_94] : memref<16000xf32, #tpu.memory_space<hbm>> -> memref<1000xf32, #tpu.memory_space<hbm>>
        %dma_start3A_99 = arith.constant 0 : i32
        %dma_start3A_100 = tpu.memref_slice %arg22[%dma_start3A_99] : memref<1008xf32, #tpu.memory_space<vmem>> -> memref<1000xf32, #tpu.memory_space<vmem>>
        tpu.enqueue_dma source(%dma_start3A_100 : memref<1000xf32, #tpu.memory_space<vmem>>) target(%dma_start3A_98 : memref<1000xf32, #tpu.memory_space<hbm>>) target_semaphore(%run_scoped3A_95 : memref<!tpu.dma_semaphore, #tpu.memory_space<semaphore_mem>>)
        %dma_wait3A = arith.constant 0 : i32
        %dma_wait3A_101 = tpu.memref_slice %arg22[%dma_wait3A] : memref<1008xf32, #tpu.memory_space<vmem>> -> memref<1000xf32, #tpu.memory_space<vmem>>
        %dma_wait3A_102 = tpu.memref_slice %arg10[%mul3A_94] : memref<16000xf32, #tpu.memory_space<hbm>> -> memref<1000xf32, #tpu.memory_space<hbm>>
        %dma_wait3A_103 = tpu.memref_slice %arg10[%mul3A_94] : memref<16000xf32, #tpu.memory_space<hbm>> -> memref<1000xf32, #tpu.memory_space<hbm>>
        %dma_wait3A_104 = arith.constant 0 : i32
        %dma_wait3A_105 = tpu.memref_slice %arg22[%dma_wait3A_104] : memref<1008xf32, #tpu.memory_space<vmem>> -> memref<1000xf32, #tpu.memory_space<vmem>>
        tpu.wait_dma2 semaphore(%run_scoped3A_95 : memref<!tpu.dma_semaphore, #tpu.memory_space<semaphore_mem>>) src(%dma_wait3A_105 : memref<1000xf32, #tpu.memory_space<vmem>>) dst(%dma_wait3A_103 : memref<1000xf32, #tpu.memory_space<hbm>>)
        tpu.yield
      }) : () -> ()
    } else {
    }
    return
  }
}

</mosaic_0001>

<sc_bundles>
// kernel: kernel.3.cloned.1.call-start
scs
__scs_entry_jumppad:
0x0: {  	(pc) =	sbr.rel $0x88, $3  }
0x1: {  	(tag) =	ssettag $0x0;
	lr =	simm.s32 $0x1  }
0x2: {  	[smem:$0x3F9C] =	sst lr;
	_ =	strace $0xD0000000  }
0x3: {  	_ = 	snop  }
0x4: {  	_ = 	snop  }
0x5: {  	_ = 	snop  }
0x6: {  	_ = 	snop  }
0x7: {  	_ = 	snop  }
__scs_overlays_trampoline_lowered:
0x8: {  	[smem:$0x3FAB] =	sst s0  }
0x9: {  	[smem:$0x3FAC] =	sst s1  }
0xa: {  	[smem:$0x3FAD] =	sst s2  }
0xb: {  	[smem:$0x3FAE] =	sst s3  }
0xc: {  	[smem:$0x3FAF] =	sst s4  }
0xd: {  	[smem:$0x3FB0] =	sst s5  }
0xe: {  	[smem:$0x3FB1] =	sst s6  }
0xf: {  	[smem:$0x3FB2] =	sst s7  }
0x10: {  	[smem:$0x3FB3] =	sst s8  }
0x11: {  	[smem:$0x3FB4] =	sst s9;
	s0 =	simm.s32 @!p0 $0x0  }
0x12: {  	s1 =	sld [smem:$0x3F9A];
	s0 =	simm.s32 @p0 $0x1  }
0x13: {  	[smem:$0x3FB5] =	sst s0;
	s0 =	simm.s32 @!p1 $0x0  }
0x14: {  	s2 =	sld [smem:$0x3F99];
	s0 =	simm.s32 @p1 $0x1  }
0x15: {  	[smem:$0x3FB6] =	sst s0;
	s0 =	simm.s32 @!p2 $0x0  }
0x16: {  	s3 =	sld [smem:$0x3FDB];
	s0 =	simm.s32 @p2 $0x1  }
0x17: {  	s4 =	simm.s32 $0x1BF5;
	[smem:$0x3FB8] =	sst s0  }
0x18: {  	s0 =	sld [smem:$0x3F9B];
	_ =	swait.ge [sflag:s4], $0x0  }
0x19: {  	s7 =	sld [smem:$0x3F9C]  }
0x1a: {  	s8 =	sadd.s32 $0xFFFFE003, lr  }
0x1b: {  	s9 =	sadd.s32 $0xFFFFFEF7, lr;
	s5 =	simm.s32 $0xFFFFFFFF;
	p2 =	slt.u32 s8, $0xFFFFF086  }
0x1c: {  	p1 =	slt.u32 s9, $0xF7A;
	s5 =	simm.s32 @!p2 $0x0  }
0x1d: {  	s5 =	simm.s32 @p1 $0x1;
	p0 =	seq.s32 s7, s2  }
0x1e: {  	s7 =	smul.u32 @!p0 $0xF7A, s2;
	p2 =	seq.s32 @!p0 s5, $0x0  }
0x1f: {  	s9 =	smul.u32 $0xF7A, s1;
	s8 =	simm.s32 @!p0 $0x1BF5;
	p2 =	por !p2, p0  }
0x20: {  	[sflag:s8] =	ssyncset.s32 @!p0 $0xFFFFF086;
	s6 =	sadd.s32 @!p0 s3, s7;
	s7 =	simm.s32 @!p0 $0x108  }
0x21: {  	s3 =	sadd.s32 s3, s9;
	s6 =	sadd.s32 @!p0 $0x88, s6;
	s7 =	simm.s32 @p2 $0x1082  }
0x22: {  	[simem:s7], [sflag:s8] =	dma.local @!p0 [hbm:s6], $0xF7A  }
0x23: {  	s9 =	sor.u32 $0xD0000000, s2;
	s6 =	simm.s32 $0x108;
	_ =	swait.ge @!p0 [sflag:s8], $0x0  }
0x24: {  	s3 =	sadd.s32 $0x88, s3;
	s6 =	simm.s32 @!p1 $0x1082;
	[sflag:s4] =	ssyncset.s32 $0xFFFFF086  }
0x25: {  	[simem:s6], [sflag:s4] =	dma.local [hbm:s3], $0xF7A  }
0x26: {  	[smem:$0x3F9C] =	sst s1;
	(tag) =	ssettag s2;
	_ =	strace s9  }
0x27: {  	s1 =	sld [smem:$0x3FAC]  }
0x28: {  	s2 =	sld [smem:$0x3FAD]  }
0x29: {  	s4 =	sld [smem:$0x3FAF]  }
0x2a: {  	p0 =	seq.s32 s5, $0x0;
	s5 =	sld [smem:$0x3FB0]  }
0x2b: {  	s6 =	sld [smem:$0x3FB1]  }
0x2c: {  	s7 =	sld [smem:$0x3FB2]  }
0x2d: {  	s3 =	simm.s32 $0x108;
	s8 =	sld [smem:$0x3FB3]  }
0x2e: {  	s3 =	simm.s32 @!p0 $0x1082;
	s9 =	sld [smem:$0x3FB4]  }
0x2f: {  	lr =	sadd.s32 s0, s3;
	s0 =	sld [smem:$0x3FAB]  }
0x30: {  	s3 =	sld [smem:$0x3FAE]  }
0x31: {  	[smem:$0x3FB7] =	sst s10  }
0x32: {  	s10 =	sld [smem:$0x3FB5];
	_ =	sdelay $0x3  }
0x33: {  	p0 =	seq.s32 s10, $0x1;
	s10 =	sld [smem:$0x3FB7];
	_ =	sdelay $0x3  }
0x34: {  	[smem:$0x3FB7] =	sst s10  }
0x35: {  	s10 =	sld [smem:$0x3FB6];
	_ =	sdelay $0x3  }
0x36: {  	p1 =	seq.s32 s10, $0x1;
	s10 =	sld [smem:$0x3FB7];
	_ =	sdelay $0x3  }
0x37: {  	[smem:$0x3FB7] =	sst s10  }
0x38: {  	s10 =	sld [smem:$0x3FB8]  }
0x39: {  	_ = 	snop;
	(pc) =	sbr.ind lr, $3  }
0x3a: {  	_ = 	snop  }
0x3b: {  	_ = 	snop  }
0x3c: {  	p2 =	seq.s32 s10, $0x1;
	s10 =	sld [smem:$0x3FB7]  }
0x3d: {  	_ =	shalt  }
0x3e: {  	_ =	shalt  }
0x3f: {  	_ =	shalt  }
0x40: {  	_ =	shalt  }
0x41: {  	_ =	shalt  }
0x42: {  	_ =	shalt  }
0x43: {  	_ =	shalt  }
0x44: {  	_ =	shalt  }
0x45: {  	_ =	shalt  }
0x46: {  	_ =	shalt  }
0x47: {  	_ =	shalt  }
0x48: {  	_ =	shalt  }
0x49: {  	_ =	shalt  }
0x4a: {  	_ =	shalt  }
0x4b: {  	_ =	shalt  }
0x4c: {  	_ =	shalt  }
0x4d: {  	_ =	shalt  }
0x4e: {  	_ =	shalt  }
0x4f: {  	_ =	shalt  }
0x50: {  	_ =	shalt  }
0x51: {  	_ =	shalt  }
0x52: {  	_ =	shalt  }
0x53: {  	_ =	shalt  }
0x54: {  	_ =	shalt  }
0x55: {  	_ =	shalt  }
0x56: {  	_ =	shalt  }
0x57: {  	_ =	shalt  }
0x58: {  	_ =	shalt  }
0x59: {  	_ =	shalt  }
0x5a: {  	_ =	shalt  }
0x5b: {  	_ =	shalt  }
0x5c: {  	_ =	shalt  }
0x5d: {  	_ =	shalt  }
0x5e: {  	_ =	shalt  }
0x5f: {  	_ =	shalt  }
0x60: {  	_ =	shalt  }
0x61: {  	_ =	shalt  }
0x62: {  	_ =	shalt  }
0x63: {  	_ =	shalt  }
0x64: {  	_ =	shalt  }
0x65: {  	_ =	shalt  }
0x66: {  	_ =	shalt  }
0x67: {  	_ =	shalt  }
0x68: {  	_ =	shalt  }
0x69: {  	_ =	shalt  }
0x6a: {  	_ =	shalt  }
0x6b: {  	_ =	shalt  }
0x6c: {  	_ =	shalt  }
0x6d: {  	_ =	shalt  }
0x6e: {  	_ =	shalt  }
0x6f: {  	_ =	shalt  }
0x70: {  	_ =	shalt  }
0x71: {  	_ =	shalt  }
0x72: {  	_ =	shalt  }
0x73: {  	_ =	shalt  }
0x74: {  	_ =	shalt  }
0x75: {  	_ =	shalt  }
0x76: {  	_ =	shalt  }
0x77: {  	_ =	shalt  }
0x78: {  	_ =	shalt  }
0x79: {  	_ =	shalt  }
0x7a: {  	_ =	shalt  }
0x7b: {  	_ =	shalt  }
0x7c: {  	_ =	shalt  }
0x7d: {  	_ =	shalt  }
0x7e: {  	_ =	shalt  }
0x7f: {  	_ =	shalt  }
0x80: {  	_ =	shalt  }
0x81: {  	_ =	shalt  }
0x82: {  	_ =	shalt  }
0x83: {  	_ =	shalt  }
0x84: {  	_ =	shalt  }
0x85: {  	_ =	shalt  }
0x86: {  	_ =	shalt  }
0x87: {  	_ =	shalt  }
.Lfunc_end0:
.L_simem_size_0:
called_computation_lowered:
.L_overlay_start_0:
0x88: {  	s2 =	sld [smem:$0x3FD9]  }
0x89: {  	s3 =	sld [smem:$0x3FFE];
	_ =	sdelay $0x1  }
0x8a: {  	s1 =	srdreg.scid  }
0x8b: {  	s0 =	sand.u32 $0x1, s1  }
0x8c: {  	s14 =	sshll.u32 s0, $0xA;
	s2 =	sadd.s32 s3, s2  }
0x8d: {  	s2 =	sadd.s32 s2, s14  }
0x8e: {  	[smem:$0x3FC3] =	sst s2  }
0x8f: {  	_ = 	snop  }
0x90: {  	s2 =	sld [smem:$0x3FD0];
	_ =	sdelay $0x2  }
0x91: {  	s15 =	simm.s32 $0xA;
	s4 =	simm.s32 $0x10  }
0x92: {  	[smem:s4], [sflag:s15] =	dma.local [hbm:s2], $0x1  }
0x93: {  	_ =	swait.eq [sflag:s15], $0x1  }
0x94: {  	[sflag:s15] =	ssyncset.done $0x0  }
0x95: {  	s16 =	sld [smem:$0x10];
	[sflag:s15] =	ssyncadd.s32 $0xFFFFFFFF  }
0x96: {  	s17 =	sld [smem:$0x11];
	(tm) =	ssettm $0x1  }
0x97: {  	s18 =	sld [smem:$0x3FFB];
	_ =	sdelay $0x3  }
0x98: {  	_ =	strace s18  }
0x99: {  	s4 =	sld [smem:$0x3FFC];
	_ =	sdelay $0x3  }
0x9a: {  	_ =	strace s4  }
0x9b: {  	s4 =	sld [smem:$0x3FFD];
	_ =	sdelay $0x3  }
0x9c: {  	_ =	strace s4  }
0x9d: {  	_ =	strace $0x8FFFFFFF  }
0x9e: {  	s19 =	sld [smem:$0x3FDB];
	_ =	sdelay $0x1  }
0x9f: {  	s5 =	simm.s32 $_scs_section_size  }
0xa0: {  	s6 =	simm.s32 $_size__tile_overlayer_lowered;
	s7 =	simm.s32 $_tile_overlayer_lowered  }
0xa1: {  	s22 =	simm.s32 $0x1BFF;
	s21 =	sshll.u32 s7, $0x1;
	s4 =	sadd.s32 s5, s19  }
0xa2: {  	s8 =	simm.s32 $0x0;
	s20 =	sshll.u32 s6, $0x1;
	s6 =	sadd.s32 s21, s4  }
0xa3: {  	[timem:s8], [sflag:s22] =	dma.local [hbm:s6], s20  }
0xa4: {  	_ =	swait.ge [sflag:s22], s20  }
0xa5: {  	s5 =	ssub.s32 $0x0, s20;
	[sflag:s22] =	ssyncset.done $0x0  }
0xa6: {  	[sflag:s22] =	ssyncadd.s32 s5;
	_ =	sdelay $0x1  }
0xa7: {  	s23 =	simm.s32 $0x1B8B  }
0xa8: {  	_ =	swait.ge [sflag:s23], $0x1  }
0xa9: {  	[sflag:s23] =	ssyncset.done $0x0  }
0xaa: {  	s25 =	simm.s32 $0x1B8E;
	s24 =	sld [smem:$0x3FFE];
	[sflag:s23] =	ssyncadd.s32 $0xFFFFFFFF  }
0xab: {  	s26 =	simm.s32 $execute0_lowered;
	[smem:$0x3FD2] =	sst s25  }
0xac: {  	s6 =	sshll.u32 s26, $0x1;
	_ =	strace $0x80000046;
	[dreg:$0x1] =	wrdreg $0xFFFFFFFF  }
0xad: {  	s28 =	simm.s32 $_size_execute0_lowered;
	s4 =	sadd.s32 s4, s6;
	[dreg:$0x0] =	wrdreg $0x0  }
0xae: {  	s6 =	sshll.u32 s28, $0x1;
	[dreg:$0x2] =	wrdreg s4  }
0xaf: {  	[dreg:$0x3] =	wrdreg s6  }
0xb0: {  	[dreg:$0x4] =	wrdreg $0xC0  }
0xb1: {  	_ =	task [dreg:s8], $0x5FFFF  }
0xb2: {  	[dreg:$0x1] =	wrdreg $0xFFFFFFFF  }
0xb3: {  	[dreg:$0x0] =	wrdreg $0x60  }
0xb4: {  	[dreg:$0x2] =	wrdreg s24  }
0xb5: {  	[dreg:$0x3] =	wrdreg s16  }
0xb6: {  	[dreg:$0x4] =	wrdreg s17  }
0xb7: {  	[dreg:$0x5] =	wrdreg $0x69700  }
0xb8: {  	[dreg:$0x6] =	wrdreg $0x9  }
0xb9: {  	_ =	task.clear_ibuf [dreg:s8], $0x7FFFF;
	_ =	strace $0x90000046  }
0xba: {  	s29 =	simm.s32 $0x9;
	_ =	strace $0x80000048  }
0xbb: {  	_ =	swait.ge [sflag:s29], $0x1  }
0xbc: {  	[sflag:s29] =	ssyncadd.s32 $0xFFFFFFFF  }
0xbd: {  	_ =	strace $0x90000048  }
0xbe: {  	_ =	sfence  }
0xbf: {  	s30 =	sld [smem:$0x0];
	_ =	sdelay $0x2  }
0xc0: {  	s31 =	sshll.u32 s1, $0xD;
	s1 =	sshrl.u32 s1, $0x2  }
0xc1: {  	s3 =	sand.u32 $0x4000, s31;
	s1 =	sadd.s32 s1, s30  }
0xc2: {  	s0 =	sor.u32 s3, s0;
	s1 =	sshll.u32 s1, $0x11  }
0xc3: {  	s0 =	sor.u32 s1, s0  }
0xc4: {  	s0 =	sadd.s32 $0x8F2B, s0  }
0xc5: {  	[sflag:s0] =	ssyncadd.remote.s32 $0x1  }
0xc6: {  	_ =	sfence.sel $0xFFFF  }
0xc7: {  	[dreg:$0x0] =	wrdreg $0xFFFFFFFF;
	(pc) =	sbr.abs _section_cstart, $3  }
0xc8: {  	[dreg:$0x1] =	wrdreg $0xFFFFFFFF  }
0xc9: {  	_ =	task.clear_ibuf [dreg:s8], $0x2FFFF;
	_ =	strace $0x9FFFFFFF  }
0xca: {  	(tm) =	ssettm $0x7FFFFFFF  }
0xcb: {  	_ =	shalt  }
tec
execute0_lowered:
.L_overlay_start_1:
0x0: {  	(tag) =	ssettag $0x1  }
0x1: {  	s0 =	rddreg [dreg:$0x0]  }
0x2: {  	s1 =	rddreg [dreg:$0x1];
	s2 =	srdreg.scid  }
0x3: {  	s9 =	rddreg [dreg:$0x2];
	s13 =	stileid.u32  }
0x4: {  	s7 =	rddreg [dreg:$0x3];
	s28 =	simm.s32 $0x4970;
	s29 =	simm.s32 $0x4D60  }
0x5: {  	s30 =	simm.s32 $0x5150;
	s31 =	simm.s32 $0x5540;
	s4 =	sand.u32 $0x1, s2  }
0x6: {  	s5 =	sshrl.u32 s13, $0x1;
	s2 =	simm.s32 $0x0;
	s19 =	sadd.s32 $0x7600, s0  }
0x7: {  	s6 =	smul.u32 $0x1080, s13;
	s13 =	sand.u32 $0x1, s13;
	s3 =	sshll.u32 s4, $0x3  }
0x8: {  	[smem:$0x7FF] =	sst s2;
	s20 =	ssub.s32 $0x2, s4;
	s4 =	sadd.s32 $0x7400, s0  }
0x9: {  	s25 =	sshll.u32 s13, $0x3;
	p0 =	seq.s32 s13, $0x0;
	s10 =	sor.u32 s5, s3  }
0xa: {  	_ =	strace $0x80000047;
	[dreg:$0x5] =	wrdreg s19;
	s12 =	sshrl.u32 s20, $0x1  }
0xb: {  	s14 =	sshrl.u32 s6, $0x2;
	s19 =	simm.s32 $0x1;
	s3 =	sshll.u32 s10, $0x9  }
0xc: {  	s11 =	smul.u32 $0x7D, s10;
	s12 =	ssub.s32 s20, s12;
	s21 =	sadd.s32 s14, s7  }
0xd: {  	s15 =	scvt.s32.f32 s10;
	s14 =	sor.u32 $0x4114, s25;
	s20 =	simm.s32 $0x1000  }
0xe: {  	s8 =	sadd.s32 s3, s0;
	[dreg:$0x6] =	wrdreg s21;
	s3 =	sadd.s32 $0x420, s21  }
0xf: {  	s16 =	smax.u32 s12, $0x1;
	s21 =	simm.s32 $0x2000;
	s0 =	sadd.s32 s11, s0  }
0x10: {  	s5 =	sadd.s32 $0x1400, s8;
	[dreg:$0x7] =	wrdreg s3;
	s1 =	sadd.s32 s1, s11  }
0x11: {  	s6 =	sadd.s32 $0x3400, s8;
	s26 =	sadd.s32 s9, s11;
	[dreg:$0x8] =	wrdreg s1  }
0x12: {  	s8 =	sadd.s32 $0x5400, s8;
	s22 =	sadd.s32 $0x9000, s0;
	[dreg:$0xd] =	wrdreg s26  }
.Ltmp0:
0x13: {  	s23 =	sadd.s32 $0x7800, s0;
	[dreg:$0x9] =	wrdreg s22;
	(pc) =	sbr.rel .LBB2_1-.Ltmp0, $4  }
0x14: {  	s24 =	sadd.s32 $0x8000, s0;
	s0 =	sadd.s32 $0x8800, s0;
	[dreg:$0xa] =	wrdreg s23  }
0x15: {  	s1 =	simm.s32 $0x5930;
	s26 =	simm.s32 $0x0;
	[dreg:$0xb] =	wrdreg s24  }
0x16: {  	v1 =	vimm.f32 $-1.000000000e+00;
	v2 =	vimm.s32 $0x0;
	[dreg:$0xc] =	wrdreg s0;
	s0 =	sor.u32 $0x4127, s25;
	s24 =	simm.s32 $0x4110  }
0x17: {  	v3 =	vlaneseq.u32;
	v4 =	vimm.f32 $0.0e+00;
	v0 =	vmov s15;
	s25 =	simm.s32 $0x4550;
	[dreg:$0xe] =	wrdreg s0;
	s0 =	simm.s32 $0x5D20  }
.LBB2_27:
0x18: {  	s3 =	rddreg [dreg:$0x6];
	s7 =	simm.s32 $0x6130  }
0x19: {  	[spmem:s3] =	stream.linear.scatter [tilespmem:s7], [sflag:$0x1], $0x420, $0x38;
	[tilespmem:$0x6D90] =	vst v63  }
0x1a: {  	_ =	swait.ge [sflag:s19], $0x420  }
0x1b: {  	[sflag:s19] =	ssyncset.done $0x0  }
0x1c: {  	[sflag:s19] =	ssyncadd.s32 $0xFFFFFBE0  }
0x1d: {  	[bflag:$0x0] =	sbarrier.arrive $0xFFFF  }
.LBB2_33:
0x1e: {  	s26 =	sadd.s32 $0x1, s26  }
0x1f: {  	p1 =	sne.s32 s26, s16  }
.Ltmp1:
0x20: {  	_ = 	snop;
	(pc) =	sbr.rel @!p1 .LBB2_34-.Ltmp1, $1  }
0x21: {  	_ =	sdelay $0x3  }
.LBB2_1:
0x22: {  	[tilespmem:s2], [sflag:$0x1] =	stream.linear.gather [hbm4b:s5+s2], $0x1000, $0x38;
	[tilespmem:$0x6D90] =	vst v63  }
0x23: {  	_ =	swait.ge [sflag:s19], $0x1000  }
0x24: {  	[sflag:s19] =	ssyncset.done $0x0  }
0x25: {  	[sflag:s19] =	ssyncadd.s32 $0xFFFFF000  }
0x26: {  	[tilespmem:s20], [sflag:$0x1] =	stream.linear.gather [hbm4b:s6+s2], $0x1000, $0x38;
	[tilespmem:$0x6D90] =	vst v63  }
0x27: {  	_ =	swait.ge [sflag:s19], $0x1000  }
0x28: {  	[sflag:s19] =	ssyncset.done $0x0  }
0x29: {  	[sflag:s19] =	ssyncadd.s32 $0xFFFFF000  }
0x2a: {  	[tilespmem:s21], [sflag:$0x1] =	stream.linear.gather [hbm4b:s8+s2], $0x1000, $0x38;
	[tilespmem:$0x6D90] =	vst v63  }
0x2b: {  	_ =	swait.ge [sflag:s19], $0x1000  }
0x2c: {  	[sflag:s19] =	ssyncset.done $0x0  }
0x2d: {  	s7 =	simm.s32 $0x6110;
	s3 =	rddreg [dreg:$0x5];
	[sflag:s19] =	ssyncadd.s32 $0xFFFFF000  }
0x2e: {  	[tilespmem:s7], [sflag:$0x1] =	stream.linear.gather [hbm4b:s3+s2], $0x10, $0x38;
	[tilespmem:$0x6D90] =	vst v63  }
0x2f: {  	_ =	swait.ge [sflag:s19], $0x10  }
0x30: {  	[sflag:s19] =	ssyncset.done $0x0  }
0x31: {  	s23 =	simm.s32 $0x6120;
	[sflag:s19] =	ssyncadd.s32 $0xFFFFFFF0  }
0x32: {  	[tilespmem:s23], [sflag:$0x1] =	stream.linear.gather [hbm4b:s4+s2], $0x10, $0x38;
	[tilespmem:$0x6D90] =	vst v63  }
0x33: {  	_ =	swait.ge [sflag:s19], $0x10  }
0x34: {  	[sflag:s19] =	ssyncset.done $0x0  }
0x35: {  	s9 =	simm.s32 $0x0;
	[sflag:s19] =	ssyncadd.s32 $0xFFFFFFF0  }
.LBB2_2:
0x36: {  	p1 =	sne.s32 s9, $0x4400  }
.Ltmp2:
0x37: {  	_ = 	snop;
	(pc) =	sbr.rel @p1 .LBB2_2-.Ltmp2, $3  }
0x38: {  	_ =	sdelay $0x1  }
0x39: {  	s11 =	sshra.s32 s9, $0x2  }
0x3a: {  	s9 =	sadd.s32 $0x40, s9;
	[tilespmem:s11+$0x3000] =	vst v1  }
0x3b: {  	s9 =	simm.s32 $0x2010  }
0x3c: {  	v5 =	vld [tilespmem:s9+$0xFFFFFFF0]  }
0x3d: {  	s11 =	simm.s32 $0x10  }
0x3e: {  	v6 =	vld [tilespmem:s11+$0xFFFFFFF0];
	_ =	sdelay $0x2  }
0x3f: {  	v5 =	vsub.f32 $0.0e+00, v5;
	_ =	sdelay $0x1  }
0x40: {  	v6 =	vsub.f32 $0.0e+00, v6;
	v5 =	vmul.f32 $1.442695020e+00, v5;
	_ =	sdelay $0x1  }
0x41: {  	v6 =	vmul.f32 $1.442695020e+00, v6;
	(erf) = vpow2.f32 v5;
	_ =	sdelay $0x1  }
0x42: {  	(erf) = vpow2.f32 v6;
	_ =	sdelay $0x6  }
0x43: {  	v5 =	vpop (erf)  }
0x44: {  	v5 =	vadd.f32 $1.000000000e+00, v5  }
0x45: {  	v6 =	vpop (erf)  }
0x46: {  	v6 =	vadd.f32 $1.000000000e+00, v6;
	(erf) = vrcp.f32 v5;
	_ =	sdelay $0x1  }
0x47: {  	(erf) = vrcp.f32 v6;
	_ =	sdelay $0x6  }
0x48: {  	v5 =	vpop (erf)  }
0x49: {  	s12 =	simm.s32 $0x0;
	v5 =	vmul.f32 $3.499999940e-01, v5  }
0x4a: {  	s13 =	smul.u32 $0x108, s12;
	v6 =	vpop (erf)  }
0x4b: {  	v6 =	vmul.f32 v6, v6;
	v5 =	vsub.f32 $1.000000000e+00, v5  }
0x4c: {  	s12 =	simm.s32 $0x0;
	s13 =	sshra.s32 s13, $0x2  }
0x4d: {  	s15 =	sand.u32 $0x20, s12;
	s13 =	sadd.s32 $0x3043, s13;
	v5 =	vmul.f32 v5, v6  }
0x4e: {  	s15 =	sadd.s32 s15, s13  }
0x4f: {  	[tilespmem:s15+$0x0] =	vst v5  }
0x50: {  	v5 =	vld [tilespmem:s9+$0x0];
	_ =	sdelay $0x1  }
0x51: {  	v6 =	vld [tilespmem:s11+$0x0];
	_ =	sdelay $0x2  }
0x52: {  	v5 =	vsub.f32 $0.0e+00, v5;
	_ =	sdelay $0x1  }
0x53: {  	v6 =	vsub.f32 $0.0e+00, v6;
	v5 =	vmul.f32 $1.442695020e+00, v5;
	_ =	sdelay $0x1  }
0x54: {  	v6 =	vmul.f32 $1.442695020e+00, v6;
	(erf) = vpow2.f32 v5;
	_ =	sdelay $0x1  }
0x55: {  	(erf) = vpow2.f32 v6;
	_ =	sdelay $0x6  }
0x56: {  	v5 =	vpop (erf)  }
0x57: {  	v5 =	vadd.f32 $1.000000000e+00, v5  }
0x58: {  	v6 =	vpop (erf)  }
0x59: {  	v6 =	vadd.f32 $1.000000000e+00, v6;
	(erf) = vrcp.f32 v5;
	_ =	sdelay $0x1  }
0x5a: {  	(erf) = vrcp.f32 v6;
	_ =	sdelay $0x6  }
0x5b: {  	v5 =	vpop (erf)  }
0x5c: {  	v5 =	vmul.f32 $3.499999940e-01, v5  }
0x5d: {  	v6 =	vpop (erf)  }
0x5e: {  	v6 =	vmul.f32 v6, v6;
	v5 =	vsub.f32 $1.000000000e+00, v5  }
0x5f: {  	s23 =	simm.s32 $0x10  }
0x60: {  	s15 =	sand.u32 $0x30, s23;
	v5 =	vmul.f32 v5, v6  }
0x61: {  	s18 =	simm.s32 $0x1;
	s22 =	simm.s32 $0x0;
	s13 =	sadd.s32 s15, s13  }
.LBB2_4:
0x62: {  	[tilespmem:s13+$0x0] =	vst v5;
	s22 =	sadd.s32 $0x20, s22;
	s9 =	sadd.s32 $0x20, s9;
	s11 =	sadd.s32 $0x20, s11  }
0x63: {  	p1 =	sne.s32 s18, $0x7F;
	s13 =	smov.u32 s18;
	s18 =	sadd.s32 $0x1, s18;
	v5 =	vld [tilespmem:s9+$0xFFFFFFF0]  }
0x64: {  	_ = 	snop  }
0x65: {  	v6 =	vld [tilespmem:s11+$0xFFFFFFF0];
	_ =	sdelay $0x2  }
0x66: {  	v5 =	vsub.f32 $0.0e+00, v5;
	_ =	sdelay $0x1  }
0x67: {  	v6 =	vsub.f32 $0.0e+00, v6;
	v5 =	vmul.f32 $1.442695020e+00, v5;
	_ =	sdelay $0x1  }
0x68: {  	v6 =	vmul.f32 $1.442695020e+00, v6;
	(erf) = vpow2.f32 v5;
	_ =	sdelay $0x1  }
0x69: {  	(erf) = vpow2.f32 v6;
	_ =	sdelay $0x6  }
0x6a: {  	v5 =	vpop (erf)  }
0x6b: {  	v5 =	vadd.f32 $1.000000000e+00, v5  }
0x6c: {  	v6 =	vpop (erf)  }
0x6d: {  	v6 =	vadd.f32 $1.000000000e+00, v6;
	(erf) = vrcp.f32 v5;
	_ =	sdelay $0x1  }
0x6e: {  	(erf) = vrcp.f32 v6;
	_ =	sdelay $0x6  }
0x6f: {  	v5 =	vpop (erf)  }
0x70: {  	s13 =	sshrl.u32 s13, $0x1;
	v5 =	vmul.f32 $3.499999940e-01, v5  }
0x71: {  	s13 =	smul.u32 $0x108, s13;
	v6 =	vpop (erf)  }
0x72: {  	v6 =	vmul.f32 v6, v6;
	v5 =	vsub.f32 $1.000000000e+00, v5  }
0x73: {  	s13 =	sshra.s32 s13, $0x2  }
0x74: {  	s15 =	sand.u32 $0x20, s22;
	s13 =	sadd.s32 $0x3043, s13;
	v5 =	vmul.f32 v5, v6  }
0x75: {  	s15 =	sadd.s32 s15, s13  }
0x76: {  	[tilespmem:s15+$0x0] =	vst v5  }
0x77: {  	v5 =	vld [tilespmem:s9+$0x0];
	_ =	sdelay $0x1  }
0x78: {  	v6 =	vld [tilespmem:s11+$0x0];
	_ =	sdelay $0x2  }
0x79: {  	v5 =	vsub.f32 $0.0e+00, v5;
	_ =	sdelay $0x1  }
0x7a: {  	v6 =	vsub.f32 $0.0e+00, v6;
	v5 =	vmul.f32 $1.442695020e+00, v5;
	_ =	sdelay $0x1  }
0x7b: {  	v6 =	vmul.f32 $1.442695020e+00, v6;
	(erf) = vpow2.f32 v5;
	_ =	sdelay $0x1  }
0x7c: {  	(erf) = vpow2.f32 v6;
	_ =	sdelay $0x6  }
0x7d: {  	v5 =	vpop (erf)  }
0x7e: {  	v5 =	vadd.f32 $1.000000000e+00, v5  }
0x7f: {  	v6 =	vpop (erf)  }
0x80: {  	v6 =	vadd.f32 $1.000000000e+00, v6;
	(erf) = vrcp.f32 v5;
	_ =	sdelay $0x1  }
0x81: {  	(erf) = vrcp.f32 v6;
	_ =	sdelay $0x6  }
0x82: {  	v5 =	vpop (erf)  }
0x83: {  	v5 =	vmul.f32 $3.499999940e-01, v5  }
.Ltmp3:
0x84: {  	v6 =	vpop (erf);
	(pc) =	sbr.rel @p1 .LBB2_4-.Ltmp3, $4  }
0x85: {  	v6 =	vmul.f32 v6, v6;
	v5 =	vsub.f32 $1.000000000e+00, v5  }
0x86: {  	s15 =	sadd.s32 $0x10, s22  }
0x87: {  	s15 =	sand.u32 $0x30, s15;
	v5 =	vmul.f32 v5, v6  }
0x88: {  	s13 =	sadd.s32 s15, s13  }
0x89: {  	[tilespmem:s13+$0x0] =	vst v5  }
.LBB2_6:
0x8a: {  	p1 =	sne.s32 s12, $0x10C0  }
.Ltmp4:
0x8b: {  	_ = 	snop;
	(pc) =	sbr.rel @p1 .LBB2_6-.Ltmp4, $3  }
0x8c: {  	_ =	sdelay $0x1  }
0x8d: {  	s9 =	sshra.s32 s12, $0x2  }
0x8e: {  	s12 =	sadd.s32 $0x40, s12;
	[tilespmem:s9+$0x4110] =	vst v1  }
0x8f: {  	s9 =	simm.s32 $0x0  }
0x90: {  	s12 =	smul.u32 $0x42, s9  }
0x91: {  	s9 =	simm.s32 $0x10  }
0x92: {  	s13 =	sand.u32 $0x30, s9;
	s15 =	sadd.s32 $0x3043, s12  }
0x93: {  	s11 =	simm.s32 $0x0;
	s17 =	sadd.s32 s13, s15  }
0x94: {  	s18 =	sand.u32 $0x20, s11;
	v7 =	vld [tilespmem:s17+$0x43]  }
0x95: {  	s15 =	sadd.s32 s18, s15;
	v8 =	vld [tilespmem:s17+$0x42]  }
0x96: {  	v5 =	vld [tilespmem:s15+$0xFFFFFFBE]  }
0x97: {  	v9 =	vld [tilespmem:s15+$0x41]  }
0x98: {  	v10 =	vld [tilespmem:s15+$0xFFFFFFFF]  }
0x99: {  	v11 =	vld [tilespmem:s15+$0x42]  }
0x9a: {  	v12 =	vld [tilespmem:s15+$0x43]  }
0x9b: {  	s18 =	sadd.s32 s18, s12;
	v13 =	vld [tilespmem:s15+$0xFFFFFFBF]  }
0x9c: {  	s22 =	sand.u32 $0x6, s12;
	s18 =	sand.u32 $0x3FF8, s18;
	v15 =	vld [tilespmem:s15+$0x1]  }
0x9d: {  	v16 =	vld [tilespmem:s17+$0xFFFFFFBF];
	s18 =	sor.u32 s22, s18  }
0x9e: {  	v14 =	vld [tilespmem:s18+$0x3000]  }
0x9f: {  	v17 =	vld [tilespmem:s17+$0xFFFFFFBE]  }
0xa0: {  	s12 =	sadd.s32 s12, s13;
	v6 =	vld [tilespmem:s15+$0x0]  }
0xa1: {  	s12 =	sand.u32 $0x3FF8, s12;
	v19 =	vld [tilespmem:s17+$0x1]  }
0xa2: {  	v62 =	vld [tilespmem:s17+$0xFFFFFFFF];
	s12 =	sor.u32 s22, s12  }
0xa3: {  	v18 =	vld [tilespmem:s12+$0x3000];
	v10 =	vmax.f32 v10, v15;
	v5 =	vmax.f32 v14, v5  }
0xa4: {  	v9 =	vmax.f32 v13, v9;
	v5 =	vmax.f32 v10, v5;
	v10 =	vld [tilespmem:s17+$0x41]  }
0xa5: {  	v11 =	vmax.f32 v11, v12;
	v5 =	vmax.f32 v5, v9  }
0xa6: {  	v9 =	vmax.f32 v5, v11  }
0xa7: {  	v63 =	vmax.f32 v62, v19;
	vm0 =	vge.f32 v6, v9  }
0xa8: {  	v8 =	vmax.f32 v8, v7;
	v7 =	vld [tilespmem:s17+$0x0];
	v9 =	vmax.f32 v18, v17;
	v11 =	vsel vm0, $0x1, v2  }
0xa9: {  	s18 =	simm.s32 $0x1;
	s12 =	simm.s32 $0x0;
	v5 =	vimm.s32 $0x0;
	v9 =	vmax.f32 v63, v9;
	(xrf0) =	vadd.scan.msk.s32 $0xffff, v11;
	v10 =	vmax.f32 v16, v10  }
.LBB2_8:
0xaa: {  	p1 =	sne.s32 s18, $0x7F  }
0xab: {  	v9 =	vmax.f32 v9, v10;
	s11 =	sadd.s32 $0x20, s11;
	s13 =	smov.u32 s18;
	s18 =	sadd.s32 $0x1, s18  }
0xac: {  	v8 =	vmax.f32 v9, v8  }
0xad: {  	vm1 =	vge.f32 v7, v8  }
0xae: {  	v8 =	vsel vm1, $0x1, v2  }
0xaf: {  	s13 =	sshrl.u32 s13, $0x1;
	v9, _, _ =	vpop (xrf0);
	(xrf0) =	vadd.scan.msk.s32 $0xffff, v8  }
0xb0: {  	s15 =	sadd.s32 $0x10, s11;
	s13 =	smul.u32 $0x42, s13;
	v8 =	vadd.s32 v9, v5  }
0xb1: {  	s17 =	sand.u32 $0x20, s11;
	s22 =	sand.u32 $0x30, s15;
	v8 =	vadd.s32 $0xF, v8  }
0xb2: {  	s23 =	sadd.s32 $0x3043, s13;
	s7 =	sadd.s32 s17, s13;
	s10 =	sadd.s32 s13, s22;
	vm2 =	vlt.s32 v8, $0x420  }
0xb3: {  	s3 =	sand.u32 $0x6, s13;
	s17 =	sadd.s32 s17, s23;
	s7 =	sand.u32 $0x3FF8, s7;
	vm0 =	vmand vm0, vm2  }
0xb4: {  	s13 =	sadd.s32 s22, s23;
	s10 =	sand.u32 $0x3FF8, s10;
	s7 =	sor.u32 s3, s7;
	v9 =	vmpcnt.ones.xlane vm0  }
0xb5: {  	s3 =	sor.u32 s3, s10;
	v10, _, _ =	vpop (xrf0)  }
0xb6: {  	v5 =	vadd.s32 v5, v9  }
0xb7: {  	v9 =	vadd.s32 v10, v5  }
0xb8: {  	v9 =	vadd.s32 $0xF, v9  }
0xb9: {  	v10 =	vor.u32 s12, v3;
	s12 =	smov.u32 s11;
	[tilespmem:v8+s24+$0x0] =	vst.idx.msk vm0, v6;
	vm2 =	vlt.s32 v9, $0x420  }
0xba: {  	[tilespmem:v8+s25+$0x0] =	vst.idx.msk vm0, v10;
	vm0 =	vmand vm1, vm2  }
0xbb: {  	v6 =	vmpcnt.ones.xlane vm0;
	_ =	sdelay $0x1  }
0xbc: {  	v5 =	vadd.s32 v5, v6;
	_ =	sdelay $0x1  }
0xbd: {  	v6 =	vor.u32 s9, v3;
	s9 =	smov.u32 s15  }
0xbe: {  	[tilespmem:v9+s24+$0x0] =	vst.idx.msk vm0, v7  }
0xbf: {  	[tilespmem:v9+s25+$0x0] =	vst.idx.msk vm0, v6  }
0xc0: {  	v6 =	vld [tilespmem:s13+$0x43]  }
0xc1: {  	v7 =	vld [tilespmem:s13+$0x42]  }
0xc2: {  	v9 =	vld [tilespmem:s17+$0xFFFFFFBE]  }
0xc3: {  	v10 =	vld [tilespmem:s17+$0x41]  }
0xc4: {  	v11 =	vld [tilespmem:s17+$0xFFFFFFFF]  }
0xc5: {  	v12 =	vld [tilespmem:s17+$0x42]  }
0xc6: {  	v13 =	vld [tilespmem:s17+$0x43];
	v8 =	vmax.f32 v7, v6  }
0xc7: {  	v7 =	vld [tilespmem:s17+$0xFFFFFFBF]  }
0xc8: {  	v14 =	vld [tilespmem:s7+$0x3000]  }
0xc9: {  	v15 =	vld [tilespmem:s17+$0x1]  }
0xca: {  	v16 =	vld [tilespmem:s13+$0xFFFFFFBF]  }
0xcb: {  	v12 =	vmax.f32 v12, v13;
	v13 =	vld [tilespmem:s13+$0xFFFFFFBE]  }
0xcc: {  	v6 =	vld [tilespmem:s17+$0x0];
	v7 =	vmax.f32 v7, v10  }
0xcd: {  	v9 =	vmax.f32 v14, v9;
	v10 =	vld [tilespmem:s3+$0x3000]  }
0xce: {  	v11 =	vmax.f32 v11, v15;
	v14 =	vld [tilespmem:s13+$0x1]  }
0xcf: {  	v9 =	vmax.f32 v11, v9;
	v11 =	vld [tilespmem:s13+$0xFFFFFFFF]  }
0xd0: {  	v7 =	vmax.f32 v9, v7;
	v15 =	vld [tilespmem:s13+$0x41]  }
.Ltmp5:
0xd1: {  	v7 =	vmax.f32 v7, v12;
	(pc) =	sbr.rel @p1 .LBB2_8-.Ltmp5, $4  }
0xd2: {  	vm0 =	vge.f32 v6, v7;
	v9 =	vmax.f32 v10, v13  }
0xd3: {  	v10 =	vsel vm0, $0x1, v2;
	v7 =	vld [tilespmem:s13+$0x0]  }
0xd4: {  	v11 =	vmax.f32 v11, v14;
	(xrf0) =	vadd.scan.msk.s32 $0xffff, v10  }
0xd5: {  	v9 =	vmax.f32 v11, v9;
	v10 =	vmax.f32 v16, v15  }
0xd6: {  	_ = 	snop  }
0xd7: {  	v9 =	vmax.f32 v9, v10  }
0xd8: {  	v8 =	vmax.f32 v9, v8  }
0xd9: {  	vm1 =	vge.f32 v7, v8  }
0xda: {  	v8 =	vsel vm1, $0x1, v2;
	v59, _, _ =	vpop (xrf0)  }
0xdb: {  	(xrf0) =	vadd.scan.msk.s32 $0xffff, v8;
	v60 =	vadd.s32 v59, v5  }
0xdc: {  	v8 =	vadd.s32 $0xF, v60  }
0xdd: {  	vm2 =	vlt.s32 v8, $0x420  }
0xde: {  	vm0 =	vmand vm0, vm2  }
0xdf: {  	v61 =	vmpcnt.ones.xlane vm0;
	_ =	sdelay $0x1  }
0xe0: {  	v62, _, _ =	vpop (xrf0);
	v5 =	vadd.s32 v5, v61  }
0xe1: {  	v9 =	vadd.s32 v62, v5  }
0xe2: {  	v9 =	vadd.s32 $0xF, v9  }
0xe3: {  	vm15 =	vlt.s32 v9, $0x420  }
0xe4: {  	vm1 =	vmand vm1, vm15;
	_ =	sdelay $0x3  }
0xe5: {  	v63 =	vor.u32 s12, v3;
	[tilespmem:v8+s24+$0x0] =	vst.idx.msk vm0, v6  }
0xe6: {  	[tilespmem:v8+s25+$0x0] =	vst.idx.msk vm0, v63  }
0xe7: {  	v6 =	vor.u32 s9, v3;
	[tilespmem:v9+s24+$0x0] =	vst.idx.msk vm1, v7  }
0xe8: {  	s9 =	simm.s32 $0x0;
	[tilespmem:v9+s25+$0x0] =	vst.idx.msk vm1, v6  }
0xe9: {  	[tilespmem:s9+$0x5D20] =	vst v4  }
0xea: {  	[tilespmem:s9+$0x4970] =	vst v4  }
0xeb: {  	v6 =	vmpcnt.ones.xlane vm1;
	[tilespmem:s9+$0x4D60] =	vst v4  }
0xec: {  	[tilespmem:s9+$0x5150] =	vst v4  }
0xed: {  	s11 =	simm.s32 $0x40;
	[tilespmem:s9+$0x5540] =	vst v4;
	v5 =	vadd.s32 v5, v6  }
.LBB2_10:
0xee: {  	p1 =	sne.s32 s11, $0xF80;
	[tilespmem:s9+$0x5930] =	vst v4;
	s9 =	sshra.s32 s11, $0x2;
	s11 =	sadd.s32 $0x40, s11  }
.Ltmp6:
0xef: {  	[tilespmem:s9+$0x5D20] =	vst v4;
	(pc) =	sbr.rel @p1 .LBB2_10-.Ltmp6, $4  }
0xf0: {  	[tilespmem:s9+$0x4970] =	vst v4  }
0xf1: {  	[tilespmem:s9+$0x4D60] =	vst v4  }
0xf2: {  	[tilespmem:s9+$0x5150] =	vst v4  }
0xf3: {  	[tilespmem:s9+$0x5540] =	vst v4  }
0xf4: {  	v5 =	vxor.u32 $0x80000000, v5  }
0xf5: {  	(xrf0) =	vmax.scan.msk.u32 $0xffff, v5;
	_ =	sdelay $0x5  }
0xf6: {  	v5, _, _ =	vpop (xrf0)  }
0xf7: {  	(v2sf) =	vpush v5, $0xF;
	_ =	sdelay $0xe  }
0xf8: {  	s3 =	spop (v2sf)  }
0xf9: {  	s3 =	sadd.s32 $0x8000000F, s3  }
0xfa: {  	s11 =	sshra.s32 s3, $0x4  }
0xfb: {  	p1 =	slt.s32 s11, $0x1  }
.Ltmp7:
0xfc: {  	_ = 	snop;
	(pc) =	sbr.rel @p1 .LBB2_26-.Ltmp7, $4  }
0xfd: {  	_ = 	snop  }
0xfe: {  	[tilespmem:s9+$0x5930] =	vst v4  }
0xff: {  	v6 =	vld [tilespmem:$0x6120]  }
0x100: {  	v5 =	vld [tilespmem:$0x6110]  }
.Ltmp8:
0x101: {  	(pc) =	sbr.rel .LBB2_13-.Ltmp8, $3  }
0x102: {  	_ =	sdelay $0x1  }
0x103: {  	s23 =	simm.s32 $0x0  }
0x104: {  	s9 =	simm.s32 $0x1;
	s18 =	rddreg [dreg:$0xe];
	s22 =	smov.u32 s11  }
.LBB2_20:
0x105: {  	s13 =	smov.u32 s18;
	v20 =	vmov v9  }
.LBB2_24:
0x106: {  	v20 =	vadd.s32 @p2 v21, v20  }
0x107: {  	v19 =	vadd.s32 @p2 v23, v19;
	v22 =	vadd.s32 @p2 v24, v22;
	vm0 =	vgt.f32 v17, v7  }
0x108: {  	v56 =	vld [tilespmem:s13+$0xFFFFFFFA];
	vm1 =	vgt.f32 v13, v7;
	vm2 =	vgt.f32 v16, v7;
	vm3 =	vgt.f32 v12, v7  }
0x109: {  	v57 =	vld [tilespmem:s13+$0xFFFFFFFD];
	vm12 =	vgt.f32 v15, v7;
	vm13 =	vgt.f32 v14, v7;
	v13 =	vadd.s32 @p2 v18, v20  }
0x10a: {  	v58 =	vsel vm0, $0x1, v2;
	v16 =	vsel vm2, $0x1, v2;
	v59 =	vsel vm1, $0x1, v2  }
0x10b: {  	v11 =	vpsel p2, v19, v11;
	v60 =	vsel vm12, $0x1, v2;
	v61 =	vsel vm13, $0x1, v2  }
0x10c: {  	v63 =	vsel vm3, $0x1, v2;
	v11 =	vadd.s32 v16, v11;
	v8 =	vadd.s32 v60, v8  }
0x10d: {  	v9 =	vpsel p2, v13, v9;
	v8 =	vadd.s32 v59, v8;
	vm14 =	vgt.f32 v56, v7  }
0x10e: {  	vm15 =	vgt.f32 v57, v7;
	v7 =	vpsel p2, v22, v10;
	v62 =	vsel vm14, $0x1, v2  }
0x10f: {  	v9 =	vadd.s32 v61, v9;
	v10 =	vsel vm15, $0x1, v2;
	v7 =	vadd.s32 v62, v7  }
0x110: {  	v9 =	vadd.s32 v58, v9;
	v11 =	vadd.s32 v10, v11;
	v10 =	vadd.s32 v63, v7  }
.LBB2_25:
0x111: {  	s23 =	sadd.s32 $0x1, s23  }
0x112: {  	p2 =	sne.s32 s23, s11  }
.Ltmp9:
0x113: {  	_ = 	snop;
	(pc) =	sbr.rel @!p2 .LBB2_26-.Ltmp9, $4  }
0x114: {  	v7 =	vadd.s32 v11, v10  }
0x115: {  	v7 =	vadd.s32 v9, v7  }
0x116: {  	v7 =	vadd.s32 v8, v7  }
0x117: {  	s9 =	sadd.s32 $0x1, s9;
	s22 =	sadd.s32 $0xFFFFFFFF, s22;
	s18 =	sadd.s32 $0x10, s18;
	[tilespmem:s12+$0x6130] =	vst v7  }
.LBB2_13:
0x118: {  	v10 =	vld [tilespmem:s14+$0x3]  }
0x119: {  	v8 =	vld [tilespmem:s14+$0x1];
	p3 =	sne.s32 s9, $0x1  }
.Ltmp10:
0x11a: {  	s12 =	sshll.u32 s23, $0x4;
	v14 =	vld [tilespmem:s14+$0x2];
	(pc) =	sbr.rel @!p3 .LBB2_14-.Ltmp10, $4  }
0x11b: {  	v7 =	vld [tilespmem:s12+$0x4120]  }
0x11c: {  	v13 =	vld [tilespmem:s14+$0xFFFFFFFC]  }
0x11d: {  	s3 =	ssub.s32 s11, s23;
	v11 =	vld [tilespmem:s14+$0xFFFFFFFF]  }
0x11e: {  	v9 =	vimm.s32 $0x0;
	s15 =	sadd.s32 $0xFFFFFFFF, s9;
	v12 =	vld [tilespmem:s14+$0xFFFFFFFE];
	p2 =	por $0x0, $0x0;
	s13 =	sshll.u32 s3, $0x1  }
0x11f: {  	v16 =	vld [tilespmem:s14+$0xFFFFFFFD]  }
0x120: {  	v18 =	vld [tilespmem:s14+$0x0];
	s17 =	sadd.s32 $0x10, s14;
	vm0 =	vge.f32 v14, v7;
	vm1 =	vge.f32 v10, v7;
	vm3 =	vge.f32 v8, v7  }
0x121: {  	p3 =	sne.s32 s15, $0x1;
	v10 =	vld [tilespmem:s17+$0x3];
	vm2 =	vge.f32 v13, v7;
	v15 =	vsel vm0, $0x1, v2;
	v20 =	vsel vm1, $0x1, v2  }
.Ltmp11:
0x122: {  	v8 =	vld [tilespmem:s17+$0x1];
	v22 =	vsel vm3, $0x1, v2;
	v13 =	vsel vm2, $0x1, v2;
	vm12 =	vge.f32 v11, v7;
	(pc) =	sbr.rel @!p3 .LBB2_16-.Ltmp11, $4  }
0x123: {  	v14 =	vld [tilespmem:s17+$0x2];
	v17 =	vadd.s32 v13, v9;
	vm13 =	vge.f32 v12, v7;
	v11 =	vsel vm12, $0x1, v2  }
0x124: {  	v13 =	vld [tilespmem:s17+$0xFFFFFFFC];
	vm14 =	vge.f32 v16, v7;
	v19 =	vsel vm13, $0x1, v2;
	v12 =	vadd.s32 v11, v9  }
0x125: {  	v11 =	vld [tilespmem:s17+$0xFFFFFFFF];
	vm15 =	vge.f32 v18, v7;
	v18 =	vimm.s32 $0x0;
	v21 =	vsel vm14, $0x1, v2  }
0x126: {  	s15 =	sadd.s32 $0xFFFFFFFF, s15;
	p2 =	por $0x1, $0x1;
	v16 =	vadd.s32 v20, v12;
	v12 =	vld [tilespmem:s17+$0xFFFFFFFE];
	v20 =	vadd.s32 v21, v9;
	v21 =	vsel vm15, $0x1, v2  }
.LBB2_17:
0x127: {  	p3 =	sne.s32 s15, $0x1;
	s15 =	sadd.s32 $0xFFFFFFFF, s15;
	v23 =	vld [tilespmem:s17+$0xFFFFFFFD];
	v18 =	vadd.s32 v19, v18;
	v17 =	vadd.s32 v21, v17;
	v20 =	vadd.s32 v22, v20  }
0x128: {  	vm1 =	vge.f32 v10, v7;
	v21 =	vld [tilespmem:s17+$0x0];
	vm0 =	vge.f32 v14, v7;
	s17 =	sadd.s32 $0x10, s17;
	v18 =	vadd.s32 v15, v18  }
0x129: {  	vm3 =	vge.f32 v8, v7;
	v10 =	vld [tilespmem:s17+$0x3];
	vm2 =	vge.f32 v13, v7;
	v15 =	vsel vm0, $0x1, v2  }
.Ltmp12:
0x12a: {  	v22 =	vsel vm1, $0x1, v2;
	v8 =	vld [tilespmem:s17+$0x1];
	v13 =	vsel vm2, $0x1, v2;
	vm0 =	vge.f32 v11, v7;
	(pc) =	sbr.rel @p3 .LBB2_17-.Ltmp12, $4  }
0x12b: {  	v14 =	vld [tilespmem:s17+$0x2];
	v17 =	vadd.s32 v13, v17;
	vm1 =	vge.f32 v12, v7;
	v11 =	vsel vm0, $0x1, v2  }
0x12c: {  	v13 =	vld [tilespmem:s17+$0xFFFFFFFC];
	vm0 =	vge.f32 v23, v7;
	v19 =	vsel vm1, $0x1, v2;
	v12 =	vadd.s32 v11, v16  }
0x12d: {  	v11 =	vld [tilespmem:s17+$0xFFFFFFFF];
	v23 =	vsel vm0, $0x1, v2;
	vm0 =	vge.f32 v21, v7;
	v16 =	vadd.s32 v22, v12  }
0x12e: {  	v22 =	vsel vm3, $0x1, v2;
	v12 =	vld [tilespmem:s17+$0xFFFFFFFE];
	v20 =	vadd.s32 v23, v20;
	v21 =	vsel vm0, $0x1, v2  }
.LBB2_18:
0x12f: {  	v18 =	vadd.s32 @p2 v19, v18  }
0x130: {  	v17 =	vadd.s32 @p2 v21, v17;
	v20 =	vadd.s32 @p2 v22, v20;
	vm1 =	vge.f32 v10, v7  }
0x131: {  	v57 =	vld [tilespmem:s17+$0xFFFFFFFD];
	vm3 =	vge.f32 v8, v7;
	vm0 =	vge.f32 v14, v7;
	v10 =	vadd.s32 @p2 v15, v18  }
0x132: {  	v58 =	vld [tilespmem:s17+$0x0];
	v60 =	vpsel p2, v17, v9;
	v62 =	vpsel p2, v20, v9;
	v63 =	vsel vm3, $0x1, v2  }
0x133: {  	vm2 =	vge.f32 v13, v7;
	v59 =	vsel vm0, $0x1, v2;
	v9 =	vpsel p2, v10, v9  }
0x134: {  	p2 =	slt.s32 s13, $0x1;
	v8 =	vsel vm2, $0x1, v2;
	vm12 =	vge.f32 v11, v7;
	v11 =	vsel vm1, $0x1, v2  }
.Ltmp13:
0x135: {  	v15 =	vadd.s32 v8, v60;
	vm13 =	vge.f32 v12, v7;
	v8 =	vsel vm12, $0x1, v2;
	(pc) =	sbr.rel @p2 .LBB2_25-.Ltmp13, $4  }
0x136: {  	vm14 =	vge.f32 v57, v7;
	v12 =	vsel vm13, $0x1, v2;
	v8 =	vadd.s32 v8, v16  }
0x137: {  	vm15 =	vge.f32 v58, v7;
	v61 =	vsel vm14, $0x1, v2;
	v8 =	vadd.s32 v11, v8  }
0x138: {  	v10 =	vsel vm15, $0x1, v2;
	v9 =	vadd.s32 v12, v9;
	v14 =	vadd.s32 v61, v62  }
0x139: {  	v11 =	vadd.s32 v10, v15;
	v9 =	vadd.s32 v59, v9;
	v10 =	vadd.s32 v63, v14  }
0x13a: {  	v13 =	vld [tilespmem:s18+$0x0]  }
0x13b: {  	v12 =	vld [tilespmem:s18+$0xFFFFFFFE];
	p3 =	sne.s32 s22, $0x1  }
.Ltmp14:
0x13c: {  	v17 =	vld [tilespmem:s18+$0xFFFFFFFF];
	(pc) =	sbr.rel @!p3 .LBB2_20-.Ltmp14, $4  }
0x13d: {  	v16 =	vld [tilespmem:s18+$0xFFFFFFF9]  }
0x13e: {  	v15 =	vld [tilespmem:s18+$0xFFFFFFFC]  }
0x13f: {  	v14 =	vld [tilespmem:s18+$0xFFFFFFFB]  }
0x140: {  	s15 =	sadd.s32 $0xFFFFFFFF, s22;
	p2 =	por $0x0, $0x0  }
0x141: {  	v20 =	vld [tilespmem:s18+$0xFFFFFFFA];
	_ =	sdelay $0x1  }
0x142: {  	v22 =	vld [tilespmem:s18+$0xFFFFFFFD];
	s13 =	sadd.s32 $0x10, s18  }
0x143: {  	vm0 =	vgt.f32 v17, v7;
	vm1 =	vgt.f32 v13, v7;
	v13 =	vld [tilespmem:s13+$0x0]  }
0x144: {  	vm3 =	vgt.f32 v12, v7;
	p3 =	sne.s32 s15, $0x1;
	vm2 =	vgt.f32 v16, v7;
	v18 =	vsel vm0, $0x1, v2;
	v12 =	vld [tilespmem:s13+$0xFFFFFFFE]  }
.Ltmp15:
0x145: {  	v23 =	vsel vm1, $0x1, v2;
	v17 =	vld [tilespmem:s13+$0xFFFFFFFF];
	v24 =	vsel vm3, $0x1, v2;
	vm14 =	vgt.f32 v20, v7;
	(pc) =	sbr.rel @!p3 .LBB2_22-.Ltmp15, $4  }
0x146: {  	v16 =	vsel vm2, $0x1, v2;
	vm12 =	vgt.f32 v15, v7;
	v15 =	vld [tilespmem:s13+$0xFFFFFFFC];
	v20 =	vsel vm14, $0x1, v2  }
0x147: {  	v19 =	vadd.s32 v16, v11;
	vm13 =	vgt.f32 v14, v7;
	v14 =	vsel vm12, $0x1, v2;
	v16 =	vld [tilespmem:s13+$0xFFFFFFF9]  }
0x148: {  	v21 =	vsel vm13, $0x1, v2;
	v8 =	vadd.s32 v14, v8;
	v14 =	vld [tilespmem:s13+$0xFFFFFFFB];
	vm15 =	vgt.f32 v22, v7  }
0x149: {  	s17 =	sadd.s32 $0xFFFFFFFF, s15;
	p2 =	por $0x1, $0x1;
	v8 =	vadd.s32 v23, v8;
	v23 =	vsel vm15, $0x1, v2;
	v22 =	vadd.s32 v20, v10;
	v20 =	vmovc v9  }
.LBB2_23:
0x14a: {  	p3 =	sne.s32 s17, $0x1;
	s17 =	sadd.s32 $0xFFFFFFFF, s17;
	v25 =	vld [tilespmem:s13+$0xFFFFFFFA];
	v20 =	vadd.s32 v21, v20;
	v19 =	vadd.s32 v23, v19;
	v22 =	vadd.s32 v24, v22  }
0x14b: {  	vm0 =	vgt.f32 v17, v7;
	vm1 =	vgt.f32 v13, v7;
	v23 =	vld [tilespmem:s13+$0xFFFFFFFD];
	s13 =	sadd.s32 $0x10, s13;
	v20 =	vadd.s32 v18, v20  }
0x14c: {  	vm2 =	vgt.f32 v16, v7;
	vm3 =	vgt.f32 v12, v7;
	v18 =	vsel vm0, $0x1, v2;
	v13 =	vld [tilespmem:s13+$0x0]  }
.Ltmp16:
0x14d: {  	v16 =	vsel vm2, $0x1, v2;
	vm0 =	vgt.f32 v15, v7;
	v24 =	vsel vm1, $0x1, v2;
	v12 =	vld [tilespmem:s13+$0xFFFFFFFE];
	(pc) =	sbr.rel @p3 .LBB2_23-.Ltmp16, $4  }
0x14e: {  	vm1 =	vgt.f32 v14, v7;
	v19 =	vadd.s32 v16, v19;
	v14 =	vsel vm0, $0x1, v2;
	v17 =	vld [tilespmem:s13+$0xFFFFFFFF]  }
0x14f: {  	v21 =	vsel vm1, $0x1, v2;
	v8 =	vadd.s32 v14, v8;
	v16 =	vld [tilespmem:s13+$0xFFFFFFF9];
	vm0 =	vgt.f32 v25, v7  }
0x150: {  	v8 =	vadd.s32 v24, v8;
	v15 =	vld [tilespmem:s13+$0xFFFFFFFC];
	v25 =	vsel vm0, $0x1, v2;
	vm0 =	vgt.f32 v23, v7  }
0x151: {  	v24 =	vsel vm3, $0x1, v2;
	v14 =	vld [tilespmem:s13+$0xFFFFFFFB];
	v22 =	vadd.s32 v25, v22;
	v23 =	vsel vm0, $0x1, v2  }
.Ltmp17:
0x152: {  	_ = 	snop;
	(pc) =	sbr.rel .LBB2_24-.Ltmp17, $1  }
0x153: {  	_ =	sdelay $0x3  }
.LBB2_14:
.Ltmp18:
0x154: {  	(pc) =	sbr.rel .LBB2_18-.Ltmp18, $2  }
0x155: {  	_ =	sdelay $0x2  }
0x156: {  	s17 =	smov.u32 s14;
	v18 =	vimm.s32 $0x0;
	v16 =	vimm.s32 $0x0  }
.LBB2_16:
.Ltmp19:
0x157: {  	(pc) =	sbr.rel .LBB2_18-.Ltmp19, $2  }
0x158: {  	_ =	sdelay $0x2  }
0x159: {  	v18 =	vimm.s32 $0x0  }
.LBB2_22:
.Ltmp20:
0x15a: {  	(pc) =	sbr.rel .LBB2_24-.Ltmp20, $2  }
0x15b: {  	_ =	sdelay $0x2  }
0x15c: {  	v20 =	vmov v9  }
.LBB2_26:
.Ltmp21:
0x15d: {  	(pc) =	sbr.rel @!p0 .LBB2_27-.Ltmp21, $1  }
0x15e: {  	_ =	sdelay $0x3  }
0x15f: {  	[bflag:$0x0] =	sbarrier.arrive $0xFFFF  }
.Ltmp22:
0x160: {  	s7 =	simm.s32 $0x6550;
	s3 =	rddreg [dreg:$0x7];
	(pc) =	sbr.rel @p1 .LBB2_32-.Ltmp22, $4  }
0x161: {  	[tilespmem:s7], [sflag:$0x1] =	stream.linear.gather [spmem:s3], $0x420, $0x38;
	[tilespmem:$0x6D90] =	vst v63  }
0x162: {  	_ =	swait.ge [sflag:s19], $0x420  }
0x163: {  	[sflag:s19] =	ssyncset.done $0x0  }
0x164: {  	[sflag:s19] =	ssyncadd.s32 $0xFFFFFBE0  }
0x165: {  	s3 =	simm.s32 $0x4560  }
0x166: {  	v7 =	vld [tilespmem:s3+$0x0];
	_ =	sdelay $0x4  }
0x167: {  	v8 =	vand.u32 $0xFFF, v7;
	_ =	sdelay $0x4  }
0x168: {  	v9 =	vld.idx.msk [tilespmem:v8+s20+$0x0], $0xffff  }
0x169: {  	v8 =	vld.idx.msk [tilespmem:v8+s21+$0x0], $0xffff;
	_ =	sdelay $0x3  }
0x16a: {  	v9 =	vsub.f32 $0.0e+00, v9  }
0x16b: {  	v8 =	vsub.f32 $0.0e+00, v8  }
0x16c: {  	v9 =	vmul.f32 $1.442695020e+00, v9  }
0x16d: {  	v8 =	vmul.f32 $1.442695020e+00, v8  }
0x16e: {  	(erf) = vpow2.f32 v9  }
0x16f: {  	(erf) = vpow2.f32 v8;
	_ =	sdelay $0x7  }
0x170: {  	v8 =	vpop (erf)  }
0x171: {  	v8 =	vadd.f32 $1.000000000e+00, v8;
	v9 =	vpop (erf)  }
0x172: {  	v9 =	vadd.f32 $1.000000000e+00, v9  }
0x173: {  	(erf) = vrcp.f32 v8  }
0x174: {  	(erf) = vrcp.f32 v9;
	_ =	sdelay $0x4  }
0x175: {  	s12 =	simm.s32 $0x6130  }
0x176: {  	s9 =	simm.s32 $0x6550;
	v10 =	vld [tilespmem:s12+$0x0]  }
0x177: {  	s18 =	simm.s32 $0x4120;
	v8 =	vld [tilespmem:s9+$0x0]  }
0x178: {  	v9 =	vld [tilespmem:s18+$0x0];
	v11 =	vpop (erf)  }
0x179: {  	v12 =	vand.u32 $0x3F, v7;
	v13 =	vpop (erf)  }
0x17a: {  	v7 =	vshrl.u32 v7, $0x6;
	v11 =	vmul.f32 $2.400000000e+02, v11;
	v13 =	vmul.f32 $2.500000000e-01, v13  }
0x17b: {  	v12 =	vcvt.s32.f32 v12;
	v7 =	vand.u32 $0x3F, v7  }
0x17c: {  	v8 =	vadd.s32 v10, v8;
	v10 =	vadd.f32 $1.600000000e+01, v11;
	v11 =	vadd.f32 $1.000000000e+00, v13  }
0x17d: {  	v7 =	vcvt.s32.f32 v7;
	vm0 =	vgt.f32 v9, $0.0e+00;
	vm1 =	vlt.s32 v8, $0x3E8  }
0x17e: {  	v12 =	vadd.f32 $5.000000000e-01, v12;
	vm0 =	vmand vm0, vm1;
	v11 =	vmul.f32 v11, v10  }
0x17f: {  	v61 =	vadd.f32 $5.000000000e-01, v7;
	v10 =	vnsel vm1, $0x3E8, v8  }
0x180: {  	v12 =	vmul.f32 $8.000000000e+00, v12;
	v11 =	vmul.f32 $5.000000000e-01, v11  }
0x181: {  	v7 =	vadd.f32 $-1.000000000e+00, v6;
	v13 =	vmul.f32 $8.000000000e+00, v61  }
0x182: {  	p1 =	sne.s32 s11, $0x1;
	v8 =	vadd.f32 $-1.000000000e+00, v5;
	v14 =	vsub.f32 v12, v11  }
.Ltmp23:
0x183: {  	v15 =	vsub.f32 v13, v11;
	v12 =	vadd.f32 v11, v12;
	(pc) =	sbr.rel @!p1 .LBB2_31-.Ltmp23, $4  }
0x184: {  	v11 =	vadd.f32 v11, v13;
	[tilespmem:v10+s28+$0x0] =	vst.idx.msk vm0, v0;
	v62 =	vclamp.gez.f32 v14, v7  }
0x185: {  	v63 =	vclamp.gez.f32 v15, v8;
	v12 =	vmin.f32 v12, v6;
	[tilespmem:v10+s29+$0x0] =	vst.idx.msk vm0, v62  }
0x186: {  	v11 =	vmin.f32 v11, v5;
	v12 =	vmax.f32 v12, $1.000000000e+00;
	[tilespmem:v10+s30+$0x0] =	vst.idx.msk vm0, v63  }
0x187: {  	s11 =	sadd.s32 $0xFFFFFFFF, s11;
	s13 =	simm.s32 $0x4570;
	v11 =	vmax.f32 v11, $1.000000000e+00;
	[tilespmem:v10+s31+$0x0] =	vst.idx.msk vm0, v12  }
.LBB2_30:
0x188: {  	[tilespmem:v10+s1+$0x0] =	vst.idx.msk vm0, v11;
	s12 =	sadd.s32 $0x10, s12;
	s9 =	sadd.s32 $0x10, s9;
	s18 =	sadd.s32 $0x10, s18  }
0x189: {  	p1 =	sne.s32 s11, $0x1;
	s11 =	sadd.s32 $0xFFFFFFFF, s11;
	[tilespmem:v10+s0+$0x0] =	vst.idx.msk vm0, v9  }
0x18a: {  	v9 =	vld [tilespmem:s13+$0x0];
	_ =	sdelay $0x4  }
0x18b: {  	v10 =	vand.u32 $0x3F, v9;
	v11 =	vshrl.u32 v9, $0x6;
	v9 =	vand.u32 $0xFFF, v9  }
0x18c: {  	v10 =	vcvt.s32.f32 v10;
	v11 =	vand.u32 $0x3F, v11  }
0x18d: {  	v11 =	vcvt.s32.f32 v11  }
0x18e: {  	v12 =	vadd.f32 $5.000000000e-01, v10  }
0x18f: {  	v11 =	vadd.f32 $5.000000000e-01, v11  }
0x190: {  	v10 =	vld.idx.msk [tilespmem:v9+s20+$0x0], $0xffff  }
0x191: {  	v9 =	vld.idx.msk [tilespmem:v9+s21+$0x0], $0xffff;
	_ =	sdelay $0x4  }
0x192: {  	v10 =	vsub.f32 $0.0e+00, v10  }
0x193: {  	v9 =	vsub.f32 $0.0e+00, v9  }
0x194: {  	v10 =	vmul.f32 $1.442695020e+00, v10  }
0x195: {  	v9 =	vmul.f32 $1.442695020e+00, v9  }
0x196: {  	(erf) = vpow2.f32 v10  }
0x197: {  	(erf) = vpow2.f32 v9;
	_ =	sdelay $0x7  }
0x198: {  	v9 =	vpop (erf)  }
0x199: {  	v9 =	vadd.f32 $1.000000000e+00, v9;
	v10 =	vpop (erf)  }
0x19a: {  	v10 =	vadd.f32 $1.000000000e+00, v10  }
0x19b: {  	(erf) = vrcp.f32 v9  }
0x19c: {  	(erf) = vrcp.f32 v10;
	_ =	sdelay $0x4  }
0x19d: {  	v10 =	vld [tilespmem:s9+$0x0]  }
0x19e: {  	v13 =	vld [tilespmem:s12+$0x0]  }
0x19f: {  	v9 =	vld [tilespmem:s18+$0x0]  }
0x1a0: {  	v14 =	vpop (erf)  }
0x1a1: {  	v14 =	vmul.f32 $2.400000000e+02, v14;
	v15 =	vpop (erf)  }
0x1a2: {  	v15 =	vmul.f32 $2.500000000e-01, v15  }
0x1a3: {  	v10 =	vadd.s32 v13, v10;
	v13 =	vadd.f32 $1.600000000e+01, v14  }
0x1a4: {  	vm0 =	vgt.f32 v9, $0.0e+00;
	vm1 =	vlt.s32 v10, $0x3E8;
	v14 =	vadd.f32 $1.000000000e+00, v15  }
0x1a5: {  	vm0 =	vmand vm0, vm1  }
0x1a6: {  	v10 =	vnsel vm1, $0x3E8, v10;
	v13 =	vmul.f32 v14, v13  }
0x1a7: {  	v12 =	vmul.f32 $8.000000000e+00, v12  }
0x1a8: {  	v11 =	vmul.f32 $8.000000000e+00, v11;
	v13 =	vmul.f32 $5.000000000e-01, v13;
	_ =	sdelay $0x1  }
0x1a9: {  	v14 =	vsub.f32 v12, v13;
	v15 =	vsub.f32 v11, v13  }
.Ltmp24:
0x1aa: {  	v12 =	vadd.f32 v13, v12;
	v11 =	vadd.f32 v13, v11;
	[tilespmem:v10+s28+$0x0] =	vst.idx.msk vm0, v0;
	(pc) =	sbr.rel @p1 .LBB2_30-.Ltmp24, $4  }
0x1ab: {  	v13 =	vclamp.gez.f32 v14, v7;
	v14 =	vclamp.gez.f32 v15, v8  }
0x1ac: {  	v12 =	vmin.f32 v12, v6;
	v11 =	vmin.f32 v11, v5;
	[tilespmem:v10+s29+$0x0] =	vst.idx.msk vm0, v13  }
0x1ad: {  	v12 =	vmax.f32 v12, $1.000000000e+00;
	v11 =	vmax.f32 v11, $1.000000000e+00;
	[tilespmem:v10+s30+$0x0] =	vst.idx.msk vm0, v14  }
0x1ae: {  	s13 =	sadd.s32 $0x10, s13;
	[tilespmem:v10+s31+$0x0] =	vst.idx.msk vm0, v12  }
.LBB2_31:
0x1af: {  	_ =	sdelay $0x4  }
0x1b0: {  	[tilespmem:v10+s1+$0x0] =	vst.idx.msk vm0, v11  }
0x1b1: {  	[tilespmem:v10+s0+$0x0] =	vst.idx.msk vm0, v9  }
.LBB2_32:
0x1b2: {  	s3 =	rddreg [dreg:$0x8]  }
0x1b3: {  	[hbm4b:s3+s2] =	stream.linear.scatter [tilespmem:s28], [sflag:$0x1], $0x3E8, $0x38;
	[tilespmem:$0x6D90] =	vst v63  }
0x1b4: {  	_ =	swait.ge [sflag:s19], $0x3E8  }
0x1b5: {  	[sflag:s19] =	ssyncset.done $0x0  }
0x1b6: {  	s15 =	rddreg [dreg:$0x9];
	[sflag:s19] =	ssyncadd.s32 $0xFFFFFC18  }
0x1b7: {  	[hbm4b:s15+s2] =	stream.linear.scatter [tilespmem:s29], [sflag:$0x1], $0x3E8, $0x38;
	[tilespmem:$0x6D90] =	vst v63  }
0x1b8: {  	_ =	swait.ge [sflag:s19], $0x3E8  }
0x1b9: {  	[sflag:s19] =	ssyncset.done $0x0  }
0x1ba: {  	s17 =	rddreg [dreg:$0xa];
	[sflag:s19] =	ssyncadd.s32 $0xFFFFFC18  }
0x1bb: {  	[hbm4b:s17+s2] =	stream.linear.scatter [tilespmem:s30], [sflag:$0x1], $0x3E8, $0x38;
	[tilespmem:$0x6D90] =	vst v63  }
0x1bc: {  	_ =	swait.ge [sflag:s19], $0x3E8  }
0x1bd: {  	[sflag:s19] =	ssyncset.done $0x0  }
0x1be: {  	s18 =	rddreg [dreg:$0xb];
	[sflag:s19] =	ssyncadd.s32 $0xFFFFFC18  }
0x1bf: {  	[hbm4b:s18+s2] =	stream.linear.scatter [tilespmem:s31], [sflag:$0x1], $0x3E8, $0x38;
	[tilespmem:$0x6D90] =	vst v63  }
0x1c0: {  	_ =	swait.ge [sflag:s19], $0x3E8  }
0x1c1: {  	[sflag:s19] =	ssyncset.done $0x0  }
0x1c2: {  	s22 =	rddreg [dreg:$0xc];
	[sflag:s19] =	ssyncadd.s32 $0xFFFFFC18  }
0x1c3: {  	[hbm4b:s22+s2] =	stream.linear.scatter [tilespmem:s1], [sflag:$0x1], $0x3E8, $0x38;
	[tilespmem:$0x6D90] =	vst v63  }
0x1c4: {  	_ =	swait.ge [sflag:s19], $0x3E8  }
0x1c5: {  	[sflag:s19] =	ssyncset.done $0x0  }
.Ltmp25:
0x1c6: {  	s23 =	rddreg [dreg:$0xd];
	[sflag:s19] =	ssyncadd.s32 $0xFFFFFC18;
	(pc) =	sbr.rel .LBB2_33-.Ltmp25, $4  }
0x1c7: {  	[hbm4b:s23+s2] =	stream.linear.scatter [tilespmem:s0], [sflag:$0x1], $0x3E8, $0x38;
	[tilespmem:$0x6D90] =	vst v63  }
0x1c8: {  	_ =	swait.ge [sflag:s19], $0x3E8  }
0x1c9: {  	[sflag:s19] =	ssyncset.done $0x0  }
0x1ca: {  	[sflag:s19] =	ssyncadd.s32 $0xFFFFFC18  }
.LBB2_34:
0x1cb: {  	_ =	sfence.sel $0x180000  }
0x1cc: {  	[bflag:$0x0] =	sbarrier.arrive $0xFFFF  }
0x1cd: {  	_ =	strace $0x90000047  }
0x1ce: {  	s0 =	stileid.u32;
	[bflag:$0x2] =	sbarrier.arrive $0xFFFF  }
0x1cf: {  	p0 =	sne.s32 s0, $0x0;
	s0 =	rddreg [dreg:$0x4]  }
0x1d0: {  	s0 =	sadd.s32 @!p0 $0x100000, s0  }
0x1d1: {  	[sflag:s0] =	ssyncadd.tile.s32 @!p0 $0x1;
	_ =	shalt  }
.Lfunc_end2:
_tile_overlayer_lowered:
.L_overlay_start_2:
0x1d2: {  	(tag) =	ssettag $0x2  }
0x1d3: {  	s0 =	rddreg [dreg:$0x0];
	s2 =	stileid.u32  }
0x1d4: {  	s1 =	rddreg [dreg:$0x1];
	p0 =	sne.s32 s2, $0x0  }
0x1d5: {  	s3 =	rddreg [dreg:$0x2];
	[bflag:$0x3] =	sbarrier.arrive $0xFFFF;
	s2 =	simm.s32 @!p0 $0x1C01  }
0x1d6: {  	[timem:s3], [sflag:s2] =	dma.local @!p0 [hbm:s0], s1  }
0x1d7: {  	s0 =	simm.s32 @!p0 $0x1  }
0x1d8: {  	_ =	swait.ge @!p0 [sflag:s0], s1  }
0x1d9: {  	s1 =	ssub.s32 @!p0 $0x0, s1;
	[sflag:s0] =	ssyncset.done @!p0 $0x0  }
0x1da: {  	[sflag:s0] =	ssyncadd.s32 @!p0 s1  }
0x1db: {  	[bflag:$0x3] =	sbarrier.arrive $0xFFFF  }
0x1dc: {  	_ =	shalt  }

</sc_bundles>
